<compile_context>
chip_gen: v7x
topology: tpu7x:2x2x1
jax: 0.10.2.dev20260603
libtpu: 0.0.44.dev20260713+nightly
codegen_flags: <defaults>
</compile_context>

<pallas_src>
import functools

import jax
import jax.numpy as jnp
from jax import lax
from jax.experimental import pallas as pl
from jax.experimental.pallas import tpu as pltpu
from jax.experimental.pallas import tpu_sc as plsc

D_E = 128
L = 200
B = 1024

GW = 104
CHUNK = (96, 104)
OFF = (0, 96)

NUM_CORES = 2
NUM_SUBCORES = 16
NW = NUM_CORES * NUM_SUBCORES
B_PER_W = B // NW
LANES = 16


def _emb_body(x_hbm, wt_hbm, pt_hbm, out_hbm, idx_v, pos_v,
              in0, in1, out0, out1, gsem0, gsem1, ssem0, ssem1, psem):
    wid = lax.axis_index("s") * NUM_CORES + lax.axis_index("c")
    base = wid * B_PER_W
    ins = (in0, in1)
    outs = (out0, out1)
    gsems = (gsem0, gsem1)
    ssems = (ssem0, ssem1)

    pltpu.sync_copy(x_hbm.at[pl.ds(base, B_PER_W)], idx_v)
    pos_cp = pltpu.async_copy(pt_hbm, pos_v, psem)

    def gather(ci, k):
        return pltpu.async_copy(
            wt_hbm.at[idx_v.at[ci, k]], ins[k], gsems[k])

    def store(ci, k):
        return pltpu.async_copy(
            outs[k], out_hbm.at[base + ci, pl.ds(OFF[k], CHUNK[k])],
            ssems[k])

    for k in range(2):
        gather(0, k)
    pos_cp.wait()

    def pair_body(ci, carry):
        for k in range(2):
            pltpu.make_async_copy(
                wt_hbm.at[idx_v.at[ci, k]], ins[k], gsems[k]).wait()

            @pl.when(ci >= 1)
            def _():
                pltpu.make_async_copy(
                    outs[k],
                    out_hbm.at[base + ci - 1, pl.ds(OFF[k], CHUNK[k])],
                    ssems[k]).wait()

            @plsc.parallel_loop(0, CHUNK[k], unroll=4)
            def _(r):
                for c in range(D_E // LANES):
                    sl = pl.ds(c * LANES, LANES)
                    outs[k][r, sl] = ins[k][r, sl] + pos_v[k, r, sl]

            store(ci, k)

            @pl.when(ci + 1 < B_PER_W)
            def _():
                gather(ci + 1, k)
        return carry

    lax.fori_loop(0, B_PER_W, pair_body, 0)

    for k in range(2):
        pltpu.make_async_copy(
            outs[k],
            out_hbm.at[base + B_PER_W - 1, pl.ds(OFF[k], CHUNK[k])],
            ssems[k]).wait()


_emb = functools.partial(
    pl.kernel,
    out_type=jax.ShapeDtypeStruct((B, L, D_E), jnp.float32),
    mesh=plsc.VectorSubcoreMesh(core_axis_name="c", subcore_axis_name="s"),
    scratch_types=[
        pltpu.VMEM((B_PER_W, 2, GW), jnp.int32),
        pltpu.VMEM((2, GW, D_E), jnp.float32),
        pltpu.VMEM((GW, D_E), jnp.float32),
        pltpu.VMEM((GW, D_E), jnp.float32),
        pltpu.VMEM((CHUNK[0], D_E), jnp.float32),
        pltpu.VMEM((CHUNK[1], D_E), jnp.float32),
        pltpu.SemaphoreType.DMA,
        pltpu.SemaphoreType.DMA,
        pltpu.SemaphoreType.DMA,
        pltpu.SemaphoreType.DMA,
        pltpu.SemaphoreType.DMA,
    ],
)(_emb_body)


def kernel(x, word_table, pos_table):
    assert x.shape == (B, L)
    assert word_table.shape[1] == D_E
    x32 = x.astype(jnp.int32)
    x_prep = jnp.stack([x32[:, :GW], x32[:, L - GW:]], axis=1)
    pos_prep = jnp.stack([pos_table[:GW], pos_table[L - GW:L]], axis=0)
    return _emb(x_prep, word_table, pos_prep)

# --- scband reference (transcript-rebuilt; emitter-appended) ---
"""Pipeline reference for scband-dtransformer-embedding-56453050139191 (READ-ONLY COPY).

The authoritative reference and input builder live on the scoring server;
editing this copy changes nothing except your own understanding.
"""

import jax, jax.numpy as jnp
import numpy as np

D_E = 128
L_MAX = 2048
VOCAB = 100000
B = 1024
L = 200

def setup_inputs(seed: int = 0) -> dict:
    key = jax.random.key(seed)
    k1, k2, k3 = jax.random.split(key, 3)
    x = jax.random.randint(k1, (B, L), 0, VOCAB, dtype=jnp.int64 if jax.config.jax_enable_x64 else jnp.int32)
    word_table = jax.random.normal(k2, (VOCAB, D_E), dtype=jnp.float32) * 0.02
    pos_table = jax.random.normal(k3, (L_MAX, D_E), dtype=jnp.float32) * 0.02
    return {"x": x, "word_table": word_table, "pos_table": pos_table}

def reference(x, word_table, pos_table):
    # DTransformerEmbedding forward: word embed lookup + positional embed lookup
    assert L_MAX >= x.shape[1]
    x = x.astype(jnp.int32)
    batch_size, l_x = x.shape
    x_wembed = jnp.take(word_table, x, axis=0)          # [B, L, d_e]
    positions = jnp.arange(0, l_x)
    x_pembed = jnp.take(pos_table, positions, axis=0)    # [L, d_e]
    embeddings = x_wembed + x_pembed[None, :, :]
    assert (batch_size, l_x, D_E) == embeddings.shape
    return embeddings

if __name__ == "__main__":
    import jax
    _d = setup_inputs()
    print(jax.jit(kernel)(*tuple(_d.values())))

</pallas_src>

<mosaic_0001>
#map = affine_map<(d0, d1) -> (0, 0, 0)>
#map1 = affine_map<(d0, d1) -> (0, 0)>
module attributes {stable_mosaic.version = 14 : i64} {
  func.func @_emb_body(%arg0: i32, %arg1: i32, %arg2: memref<1024x2x104xi32, #tpu.memory_space<hbm>>, %arg3: memref<100000x128xf32, #tpu.memory_space<hbm>>, %arg4: memref<2x104x128xf32, #tpu.memory_space<hbm>>, %arg5: memref<1024x200x128xf32, #tpu.memory_space<hbm>>, %arg6: memref<32x2x104xi32, #tpu.memory_space<vmem>>, %arg7: memref<2x104x128xf32, #tpu.memory_space<vmem>>, %arg8: memref<104x128xf32, #tpu.memory_space<vmem>>, %arg9: memref<104x128xf32, #tpu.memory_space<vmem>>, %arg10: memref<96x128xf32, #tpu.memory_space<vmem>>, %arg11: memref<104x128xf32, #tpu.memory_space<vmem>>, %arg12: memref<!tpu.dma_semaphore, #tpu.memory_space<semaphore_mem>>, %arg13: memref<!tpu.dma_semaphore, #tpu.memory_space<semaphore_mem>>, %arg14: memref<!tpu.dma_semaphore, #tpu.memory_space<semaphore_mem>>, %arg15: memref<!tpu.dma_semaphore, #tpu.memory_space<semaphore_mem>>, %arg16: memref<!tpu.dma_semaphore, #tpu.memory_space<semaphore_mem>>) attributes {dimension_semantics = [#tpu.dimension_semantics<core_parallel>, #tpu.dimension_semantics<subcore_parallel>], iteration_bounds = array<i64: 2, 16>, scalar_prefetch = 0 : i64, scratch_operands = 11 : i64, tpu.core_type = #tpu.core_type<sc_vector_subcore>, window_params = [{transform_indices = #map}, {transform_indices = #map1}, {transform_indices = #map}, {transform_indices = #map}]} {
    %mul3A = arith.constant 2 : i32
    %mul3A_0 = arith.muli %arg1, %mul3A : i32
    %add3A = arith.addi %mul3A_0, %arg0 : i32
    %mul3A_1 = arith.constant 32 : i32
    %mul3A_2 = arith.muli %add3A, %mul3A_1 : i32
    "tpu.region"() ({
      %run_scoped3A = tpu.sem_alloc : memref<!tpu.dma_semaphore, #tpu.memory_space<semaphore_mem>>
      %dma_start3A_45 = arith.constant 0 : i32
      %dma_start3A_46 = arith.constant 0 : i32
      %dma_start3A_47 = tpu.memref_slice %arg2[%mul3A_2, %dma_start3A_45, %dma_start3A_46] : memref<1024x2x104xi32, #tpu.memory_space<hbm>> -> memref<32x2x104xi32, #tpu.memory_space<hbm>>
      %dma_start3A_48 = arith.constant 0 : i32
      %dma_start3A_49 = arith.constant 0 : i32
      %dma_start3A_50 = tpu.memref_slice %arg2[%mul3A_2, %dma_start3A_48, %dma_start3A_49] : memref<1024x2x104xi32, #tpu.memory_space<hbm>> -> memref<32x2x104xi32, #tpu.memory_space<hbm>>
      tpu.enqueue_dma source(%dma_start3A_50 : memref<32x2x104xi32, #tpu.memory_space<hbm>>) target(%arg6 : memref<32x2x104xi32, #tpu.memory_space<vmem>>) target_semaphore(%run_scoped3A : memref<!tpu.dma_semaphore, #tpu.memory_space<semaphore_mem>>)
      %dma_wait3A_51 = arith.constant 0 : i32
      %dma_wait3A_52 = arith.constant 0 : i32
      %dma_wait3A_53 = tpu.memref_slice %arg2[%mul3A_2, %dma_wait3A_51, %dma_wait3A_52] : memref<1024x2x104xi32, #tpu.memory_space<hbm>> -> memref<32x2x104xi32, #tpu.memory_space<hbm>>
      %dma_wait3A_54 = arith.constant 0 : i32
      %dma_wait3A_55 = arith.constant 0 : i32
      %dma_wait3A_56 = tpu.memref_slice %arg2[%mul3A_2, %dma_wait3A_54, %dma_wait3A_55] : memref<1024x2x104xi32, #tpu.memory_space<hbm>> -> memref<32x2x104xi32, #tpu.memory_space<hbm>>
      tpu.wait_dma2 semaphore(%run_scoped3A : memref<!tpu.dma_semaphore, #tpu.memory_space<semaphore_mem>>) src(%dma_wait3A_56 : memref<32x2x104xi32, #tpu.memory_space<hbm>>) dst(%arg6 : memref<32x2x104xi32, #tpu.memory_space<vmem>>)
      tpu.yield
    }) : () -> ()
    tpu.enqueue_dma source(%arg4 : memref<2x104x128xf32, #tpu.memory_space<hbm>>) target(%arg7 : memref<2x104x128xf32, #tpu.memory_space<vmem>>) target_semaphore(%arg16 : memref<!tpu.dma_semaphore, #tpu.memory_space<semaphore_mem>>)
    %dma_start3A = arith.constant 0 : i32
    %dma_start3A_3 = arith.constant 0 : i32
    %dma_start3A_4 = arith.constant 0 : i32
    %dma_start3A_5 = tpu.memref_slice %arg6[%dma_start3A, %dma_start3A_3, %dma_start3A_4] : memref<32x2x104xi32, #tpu.memory_space<vmem>> -> memref<1x1x104xi32, #tpu.memory_space<vmem>>
    %dma_start3A_6 = tpu.memref_squeeze %dma_start3A_5 : memref<1x1x104xi32, #tpu.memory_space<vmem>> -> memref<104xi32, #tpu.memory_space<vmem>>
    %dma_start3A_7 = arith.constant 0 : i32
    %dma_start3A_8 = arith.constant 0 : i32
    %dma_start3A_9 = tpu.memref_slice %arg3[%dma_start3A_7, %dma_start3A_8] : memref<100000x128xf32, #tpu.memory_space<hbm>> -> memref<100000x128xf32, #tpu.memory_space<hbm>>
    tpu.enqueue_indirect_dma source(%dma_start3A_9 : memref<100000x128xf32, #tpu.memory_space<hbm>>) target(%arg8 : memref<104x128xf32, #tpu.memory_space<vmem>>) offsets(%dma_start3A_6 : memref<104xi32, #tpu.memory_space<vmem>>) semaphore(%arg12 : memref<!tpu.dma_semaphore, #tpu.memory_space<semaphore_mem>>)
    %dma_start3A_10 = arith.constant 0 : i32
    %dma_start3A_11 = arith.constant 1 : i32
    %dma_start3A_12 = arith.constant 0 : i32
    %dma_start3A_13 = tpu.memref_slice %arg6[%dma_start3A_10, %dma_start3A_11, %dma_start3A_12] : memref<32x2x104xi32, #tpu.memory_space<vmem>> -> memref<1x1x104xi32, #tpu.memory_space<vmem>>
    %dma_start3A_14 = tpu.memref_squeeze %dma_start3A_13 : memref<1x1x104xi32, #tpu.memory_space<vmem>> -> memref<104xi32, #tpu.memory_space<vmem>>
    %dma_start3A_15 = arith.constant 0 : i32
    %dma_start3A_16 = arith.constant 0 : i32
    %dma_start3A_17 = tpu.memref_slice %arg3[%dma_start3A_15, %dma_start3A_16] : memref<100000x128xf32, #tpu.memory_space<hbm>> -> memref<100000x128xf32, #tpu.memory_space<hbm>>
    tpu.enqueue_indirect_dma source(%dma_start3A_17 : memref<100000x128xf32, #tpu.memory_space<hbm>>) target(%arg9 : memref<104x128xf32, #tpu.memory_space<vmem>>) offsets(%dma_start3A_14 : memref<104xi32, #tpu.memory_space<vmem>>) semaphore(%arg13 : memref<!tpu.dma_semaphore, #tpu.memory_space<semaphore_mem>>)
    tpu.wait_dma2 semaphore(%arg16 : memref<!tpu.dma_semaphore, #tpu.memory_space<semaphore_mem>>) src(%arg4 : memref<2x104x128xf32, #tpu.memory_space<hbm>>) dst(%arg7 : memref<2x104x128xf32, #tpu.memory_space<vmem>>)
    %scan3A = arith.constant 0 : i32
    %scan3A_18 = arith.constant 0 : i32
    %scan3A_19 = arith.constant 32 : i32
    %scan3A_20 = arith.addi %scan3A_18, %scan3A_19 : i32
    %scan3A_21 = arith.constant 1 : i32
    scf.for %scan3A_45 = %scan3A_18 to %scan3A_20 step %scan3A_21  : i32 {
      %dma_wait3A_46 = arith.constant 0 : i32
      %dma_wait3A_47 = arith.constant 0 : i32
      %dma_wait3A_48 = tpu.memref_slice %arg6[%scan3A_45, %dma_wait3A_46, %dma_wait3A_47] : memref<32x2x104xi32, #tpu.memory_space<vmem>> -> memref<1x1x104xi32, #tpu.memory_space<vmem>>
      %dma_wait3A_49 = tpu.memref_squeeze %dma_wait3A_48 : memref<1x1x104xi32, #tpu.memory_space<vmem>> -> memref<104xi32, #tpu.memory_space<vmem>>
      %dma_wait3A_50 = arith.constant 0 : i32
      %dma_wait3A_51 = arith.constant 0 : i32
      %dma_wait3A_52 = tpu.memref_slice %arg3[%dma_wait3A_50, %dma_wait3A_51] : memref<100000x128xf32, #tpu.memory_space<hbm>> -> memref<100000x128xf32, #tpu.memory_space<hbm>>
      tpu.wait_indirect_dma semaphore(%arg12 : memref<!tpu.dma_semaphore, #tpu.memory_space<semaphore_mem>>) src(%dma_wait3A_52 : memref<100000x128xf32, #tpu.memory_space<hbm>>) dst(%arg8 : memref<104x128xf32, #tpu.memory_space<vmem>>)
      %ge3A = arith.constant 1 : i32
      %ge3A_53 = arith.cmpi sge, %scan3A_45, %ge3A : i32
      %convert_element_type3A = arith.extui %ge3A_53 : i1 to i32
      %cond3A = arith.constant 0 : i32
      %cond3A_54 = arith.cmpi ne, %convert_element_type3A, %cond3A : i32
      scf.if %cond3A_54 {
        %add3A_103 = arith.addi %mul3A_2, %scan3A_45 : i32
        %sub3A_104 = arith.constant 1 : i32
        %sub3A_105 = arith.subi %add3A_103, %sub3A_104 : i32
        %dma_wait3A_106 = arith.constant 0 : i32
        %dma_wait3A_107 = arith.constant 0 : i32
        %dma_wait3A_108 = tpu.memref_slice %arg5[%sub3A_105, %dma_wait3A_106, %dma_wait3A_107] : memref<1024x200x128xf32, #tpu.memory_space<hbm>> -> memref<1x96x128xf32, #tpu.memory_space<hbm>>
        %dma_wait3A_109 = tpu.memref_squeeze %dma_wait3A_108 : memref<1x96x128xf32, #tpu.memory_space<hbm>> -> memref<96x128xf32, #tpu.memory_space<hbm>>
        %dma_wait3A_110 = arith.constant 0 : i32
        %dma_wait3A_111 = arith.constant 0 : i32
        %dma_wait3A_112 = tpu.memref_slice %arg5[%sub3A_105, %dma_wait3A_110, %dma_wait3A_111] : memref<1024x200x128xf32, #tpu.memory_space<hbm>> -> memref<1x96x128xf32, #tpu.memory_space<hbm>>
        %dma_wait3A_113 = tpu.memref_squeeze %dma_wait3A_112 : memref<1x96x128xf32, #tpu.memory_space<hbm>> -> memref<96x128xf32, #tpu.memory_space<hbm>>
        tpu.wait_dma2 semaphore(%arg14 : memref<!tpu.dma_semaphore, #tpu.memory_space<semaphore_mem>>) src(%arg10 : memref<96x128xf32, #tpu.memory_space<vmem>>) dst(%dma_wait3A_113 : memref<96x128xf32, #tpu.memory_space<hbm>>)
      } else {
      }
      %parallel_loop3A = arith.constant 0 : i32
      %parallel_loop3A_55 = arith.constant 96 : i32
      %parallel_loop3A_56 = arith.constant 1 : i32
      scf.for %parallel_loop3A_103 = %parallel_loop3A to %parallel_loop3A_55 step %parallel_loop3A_56  : i32 {
        %parallel_loop3A_104 = arith.index_cast %parallel_loop3A_103 : i32 to index
        %parallel_loop3A_105 = arith.constant 0 : index
        %parallel_loop3A_106 = tpu.vector_load %arg8[%parallel_loop3A_104, %parallel_loop3A_105] {strides = array<i32>} : memref<104x128xf32, #tpu.memory_space<vmem>>, vector<1x16xf32>,
        %parallel_loop3A_107 = vector.shape_cast %parallel_loop3A_106 : vector<1x16xf32> to vector<16xf32>
        %parallel_loop3A_108 = arith.constant 0 : i32
        %parallel_loop3A_109 = arith.index_cast %parallel_loop3A_108 : i32 to index
        %parallel_loop3A_110 = arith.index_cast %parallel_loop3A_103 : i32 to index
        %parallel_loop3A_111 = arith.constant 0 : index
        %parallel_loop3A_112 = tpu.vector_load %arg7[%parallel_loop3A_109, %parallel_loop3A_110, %parallel_loop3A_111] {strides = array<i32>} : memref<2x104x128xf32, #tpu.memory_space<vmem>>, vector<1x1x16xf32>,
        %parallel_loop3A_113 = vector.shape_cast %parallel_loop3A_112 : vector<1x1x16xf32> to vector<16xf32>
        %parallel_loop3A_114 = arith.addf %parallel_loop3A_107, %parallel_loop3A_113 : vector<16xf32>
        %parallel_loop3A_115 = arith.index_cast %parallel_loop3A_103 : i32 to index
        %parallel_loop3A_116 = arith.constant 0 : index
        %parallel_loop3A_117 = tpu.vector_load %arg10[%parallel_loop3A_115, %parallel_loop3A_116] {strides = array<i32>} : memref<96x128xf32, #tpu.memory_space<vmem>>, vector<1x16xf32>,
        %parallel_loop3A_118 = vector.shape_cast %parallel_loop3A_117 : vector<1x16xf32> to vector<16xf32>
        %parallel_loop3A_119 = vector.shape_cast %parallel_loop3A_114 : vector<16xf32> to vector<1x16xf32>
        tpu.vector_store %arg10[%parallel_loop3A_115, %parallel_loop3A_116], %parallel_loop3A_119 {strides = array<i32>} : memref<96x128xf32, #tpu.memory_space<vmem>>, vector<1x16xf32>,
        %parallel_loop3A_120 = arith.index_cast %parallel_loop3A_103 : i32 to index
        %parallel_loop3A_121 = arith.constant 16 : index
        %parallel_loop3A_122 = tpu.vector_load %arg8[%parallel_loop3A_120, %parallel_loop3A_121] {strides = array<i32>} : memref<104x128xf32, #tpu.memory_space<vmem>>, vector<1x16xf32>,
        %parallel_loop3A_123 = vector.shape_cast %parallel_loop3A_122 : vector<1x16xf32> to vector<16xf32>
        %parallel_loop3A_124 = arith.constant 0 : i32
        %parallel_loop3A_125 = arith.index_cast %parallel_loop3A_124 : i32 to index
        %parallel_loop3A_126 = arith.index_cast %parallel_loop3A_103 : i32 to index
        %parallel_loop3A_127 = arith.constant 16 : index
        %parallel_loop3A_128 = tpu.vector_load %arg7[%parallel_loop3A_125, %parallel_loop3A_126, %parallel_loop3A_127] {strides = array<i32>} : memref<2x104x128xf32, #tpu.memory_space<vmem>>, vector<1x1x16xf32>,
        %parallel_loop3A_129 = vector.shape_cast %parallel_loop3A_128 : vector<1x1x16xf32> to vector<16xf32>
        %parallel_loop3A_130 = arith.addf %parallel_loop3A_123, %parallel_loop3A_129 : vector<16xf32>
        %parallel_loop3A_131 = arith.index_cast %parallel_loop3A_103 : i32 to index
        %parallel_loop3A_132 = arith.constant 16 : index
        %parallel_loop3A_133 = tpu.vector_load %arg10[%parallel_loop3A_131, %parallel_loop3A_132] {strides = array<i32>} : memref<96x128xf32, #tpu.memory_space<vmem>>, vector<1x16xf32>,
        %parallel_loop3A_134 = vector.shape_cast %parallel_loop3A_133 : vector<1x16xf32> to vector<16xf32>
        %parallel_loop3A_135 = vector.shape_cast %parallel_loop3A_130 : vector<16xf32> to vector<1x16xf32>
        tpu.vector_store %arg10[%parallel_loop3A_131, %parallel_loop3A_132], %parallel_loop3A_135 {strides = array<i32>} : memref<96x128xf32, #tpu.memory_space<vmem>>, vector<1x16xf32>,
        %parallel_loop3A_136 = arith.index_cast %parallel_loop3A_103 : i32 to index
        %parallel_loop3A_137 = arith.constant 32 : index
        %parallel_loop3A_138 = tpu.vector_load %arg8[%parallel_loop3A_136, %parallel_loop3A_137] {strides = array<i32>} : memref<104x128xf32, #tpu.memory_space<vmem>>, vector<1x16xf32>,
        %parallel_loop3A_139 = vector.shape_cast %parallel_loop3A_138 : vector<1x16xf32> to vector<16xf32>
        %parallel_loop3A_140 = arith.constant 0 : i32
        %parallel_loop3A_141 = arith.index_cast %parallel_loop3A_140 : i32 to index
        %parallel_loop3A_142 = arith.index_cast %parallel_loop3A_103 : i32 to index
        %parallel_loop3A_143 = arith.constant 32 : index
        %parallel_loop3A_144 = tpu.vector_load %arg7[%parallel_loop3A_141, %parallel_loop3A_142, %parallel_loop3A_143] {strides = array<i32>} : memref<2x104x128xf32, #tpu.memory_space<vmem>>, vector<1x1x16xf32>,
        %parallel_loop3A_145 = vector.shape_cast %parallel_loop3A_144 : vector<1x1x16xf32> to vector<16xf32>
        %parallel_loop3A_146 = arith.addf %parallel_loop3A_139, %parallel_loop3A_145 : vector<16xf32>
        %parallel_loop3A_147 = arith.index_cast %parallel_loop3A_103 : i32 to index
        %parallel_loop3A_148 = arith.constant 32 : index
        %parallel_loop3A_149 = tpu.vector_load %arg10[%parallel_loop3A_147, %parallel_loop3A_148] {strides = array<i32>} : memref<96x128xf32, #tpu.memory_space<vmem>>, vector<1x16xf32>,
        %parallel_loop3A_150 = vector.shape_cast %parallel_loop3A_149 : vector<1x16xf32> to vector<16xf32>
        %parallel_loop3A_151 = vector.shape_cast %parallel_loop3A_146 : vector<16xf32> to vector<1x16xf32>
        tpu.vector_store %arg10[%parallel_loop3A_147, %parallel_loop3A_148], %parallel_loop3A_151 {strides = array<i32>} : memref<96x128xf32, #tpu.memory_space<vmem>>, vector<1x16xf32>,
        %parallel_loop3A_152 = arith.index_cast %parallel_loop3A_103 : i32 to index
        %parallel_loop3A_153 = arith.constant 48 : index
        %parallel_loop3A_154 = tpu.vector_load %arg8[%parallel_loop3A_152, %parallel_loop3A_153] {strides = array<i32>} : memref<104x128xf32, #tpu.memory_space<vmem>>, vector<1x16xf32>,
        %parallel_loop3A_155 = vector.shape_cast %parallel_loop3A_154 : vector<1x16xf32> to vector<16xf32>
        %parallel_loop3A_156 = arith.constant 0 : i32
        %parallel_loop3A_157 = arith.index_cast %parallel_loop3A_156 : i32 to index
        %parallel_loop3A_158 = arith.index_cast %parallel_loop3A_103 : i32 to index
        %parallel_loop3A_159 = arith.constant 48 : index
        %parallel_loop3A_160 = tpu.vector_load %arg7[%parallel_loop3A_157, %parallel_loop3A_158, %parallel_loop3A_159] {strides = array<i32>} : memref<2x104x128xf32, #tpu.memory_space<vmem>>, vector<1x1x16xf32>,
        %parallel_loop3A_161 = vector.shape_cast %parallel_loop3A_160 : vector<1x1x16xf32> to vector<16xf32>
        %parallel_loop3A_162 = arith.addf %parallel_loop3A_155, %parallel_loop3A_161 : vector<16xf32>
        %parallel_loop3A_163 = arith.index_cast %parallel_loop3A_103 : i32 to index
        %parallel_loop3A_164 = arith.constant 48 : index
        %parallel_loop3A_165 = tpu.vector_load %arg10[%parallel_loop3A_163, %parallel_loop3A_164] {strides = array<i32>} : memref<96x128xf32, #tpu.memory_space<vmem>>, vector<1x16xf32>,
        %parallel_loop3A_166 = vector.shape_cast %parallel_loop3A_165 : vector<1x16xf32> to vector<16xf32>
        %parallel_loop3A_167 = vector.shape_cast %parallel_loop3A_162 : vector<16xf32> to vector<1x16xf32>
        tpu.vector_store %arg10[%parallel_loop3A_163, %parallel_loop3A_164], %parallel_loop3A_167 {strides = array<i32>} : memref<96x128xf32, #tpu.memory_space<vmem>>, vector<1x16xf32>,
        %parallel_loop3A_168 = arith.index_cast %parallel_loop3A_103 : i32 to index
        %parallel_loop3A_169 = arith.constant 64 : index
        %parallel_loop3A_170 = tpu.vector_load %arg8[%parallel_loop3A_168, %parallel_loop3A_169] {strides = array<i32>} : memref<104x128xf32, #tpu.memory_space<vmem>>, vector<1x16xf32>,
        %parallel_loop3A_171 = vector.shape_cast %parallel_loop3A_170 : vector<1x16xf32> to vector<16xf32>
        %parallel_loop3A_172 = arith.constant 0 : i32
        %parallel_loop3A_173 = arith.index_cast %parallel_loop3A_172 : i32 to index
        %parallel_loop3A_174 = arith.index_cast %parallel_loop3A_103 : i32 to index
        %parallel_loop3A_175 = arith.constant 64 : index
        %parallel_loop3A_176 = tpu.vector_load %arg7[%parallel_loop3A_173, %parallel_loop3A_174, %parallel_loop3A_175] {strides = array<i32>} : memref<2x104x128xf32, #tpu.memory_space<vmem>>, vector<1x1x16xf32>,
        %parallel_loop3A_177 = vector.shape_cast %parallel_loop3A_176 : vector<1x1x16xf32> to vector<16xf32>
        %parallel_loop3A_178 = arith.addf %parallel_loop3A_171, %parallel_loop3A_177 : vector<16xf32>
        %parallel_loop3A_179 = arith.index_cast %parallel_loop3A_103 : i32 to index
        %parallel_loop3A_180 = arith.constant 64 : index
        %parallel_loop3A_181 = tpu.vector_load %arg10[%parallel_loop3A_179, %parallel_loop3A_180] {strides = array<i32>} : memref<96x128xf32, #tpu.memory_space<vmem>>, vector<1x16xf32>,
        %parallel_loop3A_182 = vector.shape_cast %parallel_loop3A_181 : vector<1x16xf32> to vector<16xf32>
        %parallel_loop3A_183 = vector.shape_cast %parallel_loop3A_178 : vector<16xf32> to vector<1x16xf32>
        tpu.vector_store %arg10[%parallel_loop3A_179, %parallel_loop3A_180], %parallel_loop3A_183 {strides = array<i32>} : memref<96x128xf32, #tpu.memory_space<vmem>>, vector<1x16xf32>,
        %parallel_loop3A_184 = arith.index_cast %parallel_loop3A_103 : i32 to index
        %parallel_loop3A_185 = arith.constant 80 : index
        %parallel_loop3A_186 = tpu.vector_load %arg8[%parallel_loop3A_184, %parallel_loop3A_185] {strides = array<i32>} : memref<104x128xf32, #tpu.memory_space<vmem>>, vector<1x16xf32>,
        %parallel_loop3A_187 = vector.shape_cast %parallel_loop3A_186 : vector<1x16xf32> to vector<16xf32>
        %parallel_loop3A_188 = arith.constant 0 : i32
        %parallel_loop3A_189 = arith.index_cast %parallel_loop3A_188 : i32 to index
        %parallel_loop3A_190 = arith.index_cast %parallel_loop3A_103 : i32 to index
        %parallel_loop3A_191 = arith.constant 80 : index
        %parallel_loop3A_192 = tpu.vector_load %arg7[%parallel_loop3A_189, %parallel_loop3A_190, %parallel_loop3A_191] {strides = array<i32>} : memref<2x104x128xf32, #tpu.memory_space<vmem>>, vector<1x1x16xf32>,
        %parallel_loop3A_193 = vector.shape_cast %parallel_loop3A_192 : vector<1x1x16xf32> to vector<16xf32>
        %parallel_loop3A_194 = arith.addf %parallel_loop3A_187, %parallel_loop3A_193 : vector<16xf32>
        %parallel_loop3A_195 = arith.index_cast %parallel_loop3A_103 : i32 to index
        %parallel_loop3A_196 = arith.constant 80 : index
        %parallel_loop3A_197 = tpu.vector_load %arg10[%parallel_loop3A_195, %parallel_loop3A_196] {strides = array<i32>} : memref<96x128xf32, #tpu.memory_space<vmem>>, vector<1x16xf32>,
        %parallel_loop3A_198 = vector.shape_cast %parallel_loop3A_197 : vector<1x16xf32> to vector<16xf32>
        %parallel_loop3A_199 = vector.shape_cast %parallel_loop3A_194 : vector<16xf32> to vector<1x16xf32>
        tpu.vector_store %arg10[%parallel_loop3A_195, %parallel_loop3A_196], %parallel_loop3A_199 {strides = array<i32>} : memref<96x128xf32, #tpu.memory_space<vmem>>, vector<1x16xf32>,
        %parallel_loop3A_200 = arith.index_cast %parallel_loop3A_103 : i32 to index
        %parallel_loop3A_201 = arith.constant 96 : index
        %parallel_loop3A_202 = tpu.vector_load %arg8[%parallel_loop3A_200, %parallel_loop3A_201] {strides = array<i32>} : memref<104x128xf32, #tpu.memory_space<vmem>>, vector<1x16xf32>,
        %parallel_loop3A_203 = vector.shape_cast %parallel_loop3A_202 : vector<1x16xf32> to vector<16xf32>
        %parallel_loop3A_204 = arith.constant 0 : i32
        %parallel_loop3A_205 = arith.index_cast %parallel_loop3A_204 : i32 to index
        %parallel_loop3A_206 = arith.index_cast %parallel_loop3A_103 : i32 to index
        %parallel_loop3A_207 = arith.constant 96 : index
        %parallel_loop3A_208 = tpu.vector_load %arg7[%parallel_loop3A_205, %parallel_loop3A_206, %parallel_loop3A_207] {strides = array<i32>} : memref<2x104x128xf32, #tpu.memory_space<vmem>>, vector<1x1x16xf32>,
        %parallel_loop3A_209 = vector.shape_cast %parallel_loop3A_208 : vector<1x1x16xf32> to vector<16xf32>
        %parallel_loop3A_210 = arith.addf %parallel_loop3A_203, %parallel_loop3A_209 : vector<16xf32>
        %parallel_loop3A_211 = arith.index_cast %parallel_loop3A_103 : i32 to index
        %parallel_loop3A_212 = arith.constant 96 : index
        %parallel_loop3A_213 = tpu.vector_load %arg10[%parallel_loop3A_211, %parallel_loop3A_212] {strides = array<i32>} : memref<96x128xf32, #tpu.memory_space<vmem>>, vector<1x16xf32>,
        %parallel_loop3A_214 = vector.shape_cast %parallel_loop3A_213 : vector<1x16xf32> to vector<16xf32>
        %parallel_loop3A_215 = vector.shape_cast %parallel_loop3A_210 : vector<16xf32> to vector<1x16xf32>
        tpu.vector_store %arg10[%parallel_loop3A_211, %parallel_loop3A_212], %parallel_loop3A_215 {strides = array<i32>} : memref<96x128xf32, #tpu.memory_space<vmem>>, vector<1x16xf32>,
        %parallel_loop3A_216 = arith.index_cast %parallel_loop3A_103 : i32 to index
        %parallel_loop3A_217 = arith.constant 112 : index
        %parallel_loop3A_218 = tpu.vector_load %arg8[%parallel_loop3A_216, %parallel_loop3A_217] {strides = array<i32>} : memref<104x128xf32, #tpu.memory_space<vmem>>, vector<1x16xf32>,
        %parallel_loop3A_219 = vector.shape_cast %parallel_loop3A_218 : vector<1x16xf32> to vector<16xf32>
        %parallel_loop3A_220 = arith.constant 0 : i32
        %parallel_loop3A_221 = arith.index_cast %parallel_loop3A_220 : i32 to index
        %parallel_loop3A_222 = arith.index_cast %parallel_loop3A_103 : i32 to index
        %parallel_loop3A_223 = arith.constant 112 : index
        %parallel_loop3A_224 = tpu.vector_load %arg7[%parallel_loop3A_221, %parallel_loop3A_222, %parallel_loop3A_223] {strides = array<i32>} : memref<2x104x128xf32, #tpu.memory_space<vmem>>, vector<1x1x16xf32>,
        %parallel_loop3A_225 = vector.shape_cast %parallel_loop3A_224 : vector<1x1x16xf32> to vector<16xf32>
        %parallel_loop3A_226 = arith.addf %parallel_loop3A_219, %parallel_loop3A_225 : vector<16xf32>
        %parallel_loop3A_227 = arith.index_cast %parallel_loop3A_103 : i32 to index
        %parallel_loop3A_228 = arith.constant 112 : index
        %parallel_loop3A_229 = tpu.vector_load %arg10[%parallel_loop3A_227, %parallel_loop3A_228] {strides = array<i32>} : memref<96x128xf32, #tpu.memory_space<vmem>>, vector<1x16xf32>,
        %parallel_loop3A_230 = vector.shape_cast %parallel_loop3A_229 : vector<1x16xf32> to vector<16xf32>
        %parallel_loop3A_231 = vector.shape_cast %parallel_loop3A_226 : vector<16xf32> to vector<1x16xf32>
        tpu.vector_store %arg10[%parallel_loop3A_227, %parallel_loop3A_228], %parallel_loop3A_231 {strides = array<i32>} : memref<96x128xf32, #tpu.memory_space<vmem>>, vector<1x16xf32>,
      } {sc.loop_unroll_factor = 4 : i64, sc.parallel_access}
      %add3A_57 = arith.addi %mul3A_2, %scan3A_45 : i32
      %dma_start3A_58 = arith.constant 0 : i32
      %dma_start3A_59 = arith.constant 0 : i32
      %dma_start3A_60 = tpu.memref_slice %arg5[%add3A_57, %dma_start3A_58, %dma_start3A_59] : memref<1024x200x128xf32, #tpu.memory_space<hbm>> -> memref<1x96x128xf32, #tpu.memory_space<hbm>>
      %dma_start3A_61 = tpu.memref_squeeze %dma_start3A_60 : memref<1x96x128xf32, #tpu.memory_space<hbm>> -> memref<96x128xf32, #tpu.memory_space<hbm>>
      %dma_start3A_62 = arith.constant 0 : i32
      %dma_start3A_63 = arith.constant 0 : i32
      %dma_start3A_64 = tpu.memref_slice %arg5[%add3A_57, %dma_start3A_62, %dma_start3A_63] : memref<1024x200x128xf32, #tpu.memory_space<hbm>> -> memref<1x96x128xf32, #tpu.memory_space<hbm>>
      %dma_start3A_65 = tpu.memref_squeeze %dma_start3A_64 : memref<1x96x128xf32, #tpu.memory_space<hbm>> -> memref<96x128xf32, #tpu.memory_space<hbm>>
      tpu.enqueue_dma source(%arg10 : memref<96x128xf32, #tpu.memory_space<vmem>>) target(%dma_start3A_65 : memref<96x128xf32, #tpu.memory_space<hbm>>) target_semaphore(%arg14 : memref<!tpu.dma_semaphore, #tpu.memory_space<semaphore_mem>>)
      %add3A_66 = arith.constant 1 : i32
      %add3A_67 = arith.addi %scan3A_45, %add3A_66 : i32
      %lt3A = arith.constant 32 : i32
      %lt3A_68 = arith.cmpi slt, %add3A_67, %lt3A : i32
      %convert_element_type3A_69 = arith.extui %lt3A_68 : i1 to i32
      %cond3A_70 = arith.constant 0 : i32
      %cond3A_71 = arith.cmpi ne, %convert_element_type3A_69, %cond3A_70 : i32
      scf.if %cond3A_71 {
        %add3A_103 = arith.constant 1 : i32
        %add3A_104 = arith.addi %scan3A_45, %add3A_103 : i32
        %dma_start3A_105 = arith.constant 0 : i32
        %dma_start3A_106 = arith.constant 0 : i32
        %dma_start3A_107 = tpu.memref_slice %arg6[%add3A_104, %dma_start3A_105, %dma_start3A_106] : memref<32x2x104xi32, #tpu.memory_space<vmem>> -> memref<1x1x104xi32, #tpu.memory_space<vmem>>
        %dma_start3A_108 = tpu.memref_squeeze %dma_start3A_107 : memref<1x1x104xi32, #tpu.memory_space<vmem>> -> memref<104xi32, #tpu.memory_space<vmem>>
        %dma_start3A_109 = arith.constant 0 : i32
        %dma_start3A_110 = arith.constant 0 : i32
        %dma_start3A_111 = tpu.memref_slice %arg3[%dma_start3A_109, %dma_start3A_110] : memref<100000x128xf32, #tpu.memory_space<hbm>> -> memref<100000x128xf32, #tpu.memory_space<hbm>>
        tpu.enqueue_indirect_dma source(%dma_start3A_111 : memref<100000x128xf32, #tpu.memory_space<hbm>>) target(%arg8 : memref<104x128xf32, #tpu.memory_space<vmem>>) offsets(%dma_start3A_108 : memref<104xi32, #tpu.memory_space<vmem>>) semaphore(%arg12 : memref<!tpu.dma_semaphore, #tpu.memory_space<semaphore_mem>>)
      } else {
      }
      %dma_wait3A_72 = arith.constant 1 : i32
      %dma_wait3A_73 = arith.constant 0 : i32
      %dma_wait3A_74 = tpu.memref_slice %arg6[%scan3A_45, %dma_wait3A_72, %dma_wait3A_73] : memref<32x2x104xi32, #tpu.memory_space<vmem>> -> memref<1x1x104xi32, #tpu.memory_space<vmem>>
      %dma_wait3A_75 = tpu.memref_squeeze %dma_wait3A_74 : memref<1x1x104xi32, #tpu.memory_space<vmem>> -> memref<104xi32, #tpu.memory_space<vmem>>
      %dma_wait3A_76 = arith.constant 0 : i32
      %dma_wait3A_77 = arith.constant 0 : i32
      %dma_wait3A_78 = tpu.memref_slice %arg3[%dma_wait3A_76, %dma_wait3A_77] : memref<100000x128xf32, #tpu.memory_space<hbm>> -> memref<100000x128xf32, #tpu.memory_space<hbm>>
      tpu.wait_indirect_dma semaphore(%arg13 : memref<!tpu.dma_semaphore, #tpu.memory_space<semaphore_mem>>) src(%dma_wait3A_78 : memref<100000x128xf32, #tpu.memory_space<hbm>>) dst(%arg9 : memref<104x128xf32, #tpu.memory_space<vmem>>)
      %ge3A_79 = arith.constant 1 : i32
      %ge3A_80 = arith.cmpi sge, %scan3A_45, %ge3A_79 : i32
      %convert_element_type3A_81 = arith.extui %ge3A_80 : i1 to i32
      %cond3A_82 = arith.constant 0 : i32
      %cond3A_83 = arith.cmpi ne, %convert_element_type3A_81, %cond3A_82 : i32
      scf.if %cond3A_83 {
        %add3A_103 = arith.addi %mul3A_2, %scan3A_45 : i32
        %sub3A_104 = arith.constant 1 : i32
        %sub3A_105 = arith.subi %add3A_103, %sub3A_104 : i32
        %dma_wait3A_106 = arith.constant 96 : i32
        %dma_wait3A_107 = arith.constant 0 : i32
        %dma_wait3A_108 = tpu.memref_slice %arg5[%sub3A_105, %dma_wait3A_106, %dma_wait3A_107] : memref<1024x200x128xf32, #tpu.memory_space<hbm>> -> memref<1x104x128xf32, #tpu.memory_space<hbm>>
        %dma_wait3A_109 = tpu.memref_squeeze %dma_wait3A_108 : memref<1x104x128xf32, #tpu.memory_space<hbm>> -> memref<104x128xf32, #tpu.memory_space<hbm>>
        %dma_wait3A_110 = arith.constant 96 : i32
        %dma_wait3A_111 = arith.constant 0 : i32
        %dma_wait3A_112 = tpu.memref_slice %arg5[%sub3A_105, %dma_wait3A_110, %dma_wait3A_111] : memref<1024x200x128xf32, #tpu.memory_space<hbm>> -> memref<1x104x128xf32, #tpu.memory_space<hbm>>
        %dma_wait3A_113 = tpu.memref_squeeze %dma_wait3A_112 : memref<1x104x128xf32, #tpu.memory_space<hbm>> -> memref<104x128xf32, #tpu.memory_space<hbm>>
        tpu.wait_dma2 semaphore(%arg15 : memref<!tpu.dma_semaphore, #tpu.memory_space<semaphore_mem>>) src(%arg11 : memref<104x128xf32, #tpu.memory_space<vmem>>) dst(%dma_wait3A_113 : memref<104x128xf32, #tpu.memory_space<hbm>>)
      } else {
      }
      %parallel_loop3A_84 = arith.constant 0 : i32
      %parallel_loop3A_85 = arith.constant 104 : i32
      %parallel_loop3A_86 = arith.constant 1 : i32
      scf.for %parallel_loop3A_103 = %parallel_loop3A_84 to %parallel_loop3A_85 step %parallel_loop3A_86  : i32 {
        %parallel_loop3A_104 = arith.index_cast %parallel_loop3A_103 : i32 to index
        %parallel_loop3A_105 = arith.constant 0 : index
        %parallel_loop3A_106 = tpu.vector_load %arg9[%parallel_loop3A_104, %parallel_loop3A_105] {strides = array<i32>} : memref<104x128xf32, #tpu.memory_space<vmem>>, vector<1x16xf32>,
        %parallel_loop3A_107 = vector.shape_cast %parallel_loop3A_106 : vector<1x16xf32> to vector<16xf32>
        %parallel_loop3A_108 = arith.constant 1 : i32
        %parallel_loop3A_109 = arith.index_cast %parallel_loop3A_108 : i32 to index
        %parallel_loop3A_110 = arith.index_cast %parallel_loop3A_103 : i32 to index
        %parallel_loop3A_111 = arith.constant 0 : index
        %parallel_loop3A_112 = tpu.vector_load %arg7[%parallel_loop3A_109, %parallel_loop3A_110, %parallel_loop3A_111] {strides = array<i32>} : memref<2x104x128xf32, #tpu.memory_space<vmem>>, vector<1x1x16xf32>,
        %parallel_loop3A_113 = vector.shape_cast %parallel_loop3A_112 : vector<1x1x16xf32> to vector<16xf32>
        %parallel_loop3A_114 = arith.addf %parallel_loop3A_107, %parallel_loop3A_113 : vector<16xf32>
        %parallel_loop3A_115 = arith.index_cast %parallel_loop3A_103 : i32 to index
        %parallel_loop3A_116 = arith.constant 0 : index
        %parallel_loop3A_117 = tpu.vector_load %arg11[%parallel_loop3A_115, %parallel_loop3A_116] {strides = array<i32>} : memref<104x128xf32, #tpu.memory_space<vmem>>, vector<1x16xf32>,
        %parallel_loop3A_118 = vector.shape_cast %parallel_loop3A_117 : vector<1x16xf32> to vector<16xf32>
        %parallel_loop3A_119 = vector.shape_cast %parallel_loop3A_114 : vector<16xf32> to vector<1x16xf32>
        tpu.vector_store %arg11[%parallel_loop3A_115, %parallel_loop3A_116], %parallel_loop3A_119 {strides = array<i32>} : memref<104x128xf32, #tpu.memory_space<vmem>>, vector<1x16xf32>,
        %parallel_loop3A_120 = arith.index_cast %parallel_loop3A_103 : i32 to index
        %parallel_loop3A_121 = arith.constant 16 : index
        %parallel_loop3A_122 = tpu.vector_load %arg9[%parallel_loop3A_120, %parallel_loop3A_121] {strides = array<i32>} : memref<104x128xf32, #tpu.memory_space<vmem>>, vector<1x16xf32>,
        %parallel_loop3A_123 = vector.shape_cast %parallel_loop3A_122 : vector<1x16xf32> to vector<16xf32>
        %parallel_loop3A_124 = arith.constant 1 : i32
        %parallel_loop3A_125 = arith.index_cast %parallel_loop3A_124 : i32 to index
        %parallel_loop3A_126 = arith.index_cast %parallel_loop3A_103 : i32 to index
        %parallel_loop3A_127 = arith.constant 16 : index
        %parallel_loop3A_128 = tpu.vector_load %arg7[%parallel_loop3A_125, %parallel_loop3A_126, %parallel_loop3A_127] {strides = array<i32>} : memref<2x104x128xf32, #tpu.memory_space<vmem>>, vector<1x1x16xf32>,
        %parallel_loop3A_129 = vector.shape_cast %parallel_loop3A_128 : vector<1x1x16xf32> to vector<16xf32>
        %parallel_loop3A_130 = arith.addf %parallel_loop3A_123, %parallel_loop3A_129 : vector<16xf32>
        %parallel_loop3A_131 = arith.index_cast %parallel_loop3A_103 : i32 to index
        %parallel_loop3A_132 = arith.constant 16 : index
        %parallel_loop3A_133 = tpu.vector_load %arg11[%parallel_loop3A_131, %parallel_loop3A_132] {strides = array<i32>} : memref<104x128xf32, #tpu.memory_space<vmem>>, vector<1x16xf32>,
        %parallel_loop3A_134 = vector.shape_cast %parallel_loop3A_133 : vector<1x16xf32> to vector<16xf32>
        %parallel_loop3A_135 = vector.shape_cast %parallel_loop3A_130 : vector<16xf32> to vector<1x16xf32>
        tpu.vector_store %arg11[%parallel_loop3A_131, %parallel_loop3A_132], %parallel_loop3A_135 {strides = array<i32>} : memref<104x128xf32, #tpu.memory_space<vmem>>, vector<1x16xf32>,
        %parallel_loop3A_136 = arith.index_cast %parallel_loop3A_103 : i32 to index
        %parallel_loop3A_137 = arith.constant 32 : index
        %parallel_loop3A_138 = tpu.vector_load %arg9[%parallel_loop3A_136, %parallel_loop3A_137] {strides = array<i32>} : memref<104x128xf32, #tpu.memory_space<vmem>>, vector<1x16xf32>,
        %parallel_loop3A_139 = vector.shape_cast %parallel_loop3A_138 : vector<1x16xf32> to vector<16xf32>
        %parallel_loop3A_140 = arith.constant 1 : i32
        %parallel_loop3A_141 = arith.index_cast %parallel_loop3A_140 : i32 to index
        %parallel_loop3A_142 = arith.index_cast %parallel_loop3A_103 : i32 to index
        %parallel_loop3A_143 = arith.constant 32 : index
        %parallel_loop3A_144 = tpu.vector_load %arg7[%parallel_loop3A_141, %parallel_loop3A_142, %parallel_loop3A_143] {strides = array<i32>} : memref<2x104x128xf32, #tpu.memory_space<vmem>>, vector<1x1x16xf32>,
        %parallel_loop3A_145 = vector.shape_cast %parallel_loop3A_144 : vector<1x1x16xf32> to vector<16xf32>
        %parallel_loop3A_146 = arith.addf %parallel_loop3A_139, %parallel_loop3A_145 : vector<16xf32>
        %parallel_loop3A_147 = arith.index_cast %parallel_loop3A_103 : i32 to index
        %parallel_loop3A_148 = arith.constant 32 : index
        %parallel_loop3A_149 = tpu.vector_load %arg11[%parallel_loop3A_147, %parallel_loop3A_148] {strides = array<i32>} : memref<104x128xf32, #tpu.memory_space<vmem>>, vector<1x16xf32>,
        %parallel_loop3A_150 = vector.shape_cast %parallel_loop3A_149 : vector<1x16xf32> to vector<16xf32>
        %parallel_loop3A_151 = vector.shape_cast %parallel_loop3A_146 : vector<16xf32> to vector<1x16xf32>
        tpu.vector_store %arg11[%parallel_loop3A_147, %parallel_loop3A_148], %parallel_loop3A_151 {strides = array<i32>} : memref<104x128xf32, #tpu.memory_space<vmem>>, vector<1x16xf32>,
        %parallel_loop3A_152 = arith.index_cast %parallel_loop3A_103 : i32 to index
        %parallel_loop3A_153 = arith.constant 48 : index
        %parallel_loop3A_154 = tpu.vector_load %arg9[%parallel_loop3A_152, %parallel_loop3A_153] {strides = array<i32>} : memref<104x128xf32, #tpu.memory_space<vmem>>, vector<1x16xf32>,
        %parallel_loop3A_155 = vector.shape_cast %parallel_loop3A_154 : vector<1x16xf32> to vector<16xf32>
        %parallel_loop3A_156 = arith.constant 1 : i32
        %parallel_loop3A_157 = arith.index_cast %parallel_loop3A_156 : i32 to index
        %parallel_loop3A_158 = arith.index_cast %parallel_loop3A_103 : i32 to index
        %parallel_loop3A_159 = arith.constant 48 : index
        %parallel_loop3A_160 = tpu.vector_load %arg7[%parallel_loop3A_157, %parallel_loop3A_158, %parallel_loop3A_159] {strides = array<i32>} : memref<2x104x128xf32, #tpu.memory_space<vmem>>, vector<1x1x16xf32>,
        %parallel_loop3A_161 = vector.shape_cast %parallel_loop3A_160 : vector<1x1x16xf32> to vector<16xf32>
        %parallel_loop3A_162 = arith.addf %parallel_loop3A_155, %parallel_loop3A_161 : vector<16xf32>
        %parallel_loop3A_163 = arith.index_cast %parallel_loop3A_103 : i32 to index
        %parallel_loop3A_164 = arith.constant 48 : index
        %parallel_loop3A_165 = tpu.vector_load %arg11[%parallel_loop3A_163, %parallel_loop3A_164] {strides = array<i32>} : memref<104x128xf32, #tpu.memory_space<vmem>>, vector<1x16xf32>,
        %parallel_loop3A_166 = vector.shape_cast %parallel_loop3A_165 : vector<1x16xf32> to vector<16xf32>
        %parallel_loop3A_167 = vector.shape_cast %parallel_loop3A_162 : vector<16xf32> to vector<1x16xf32>
        tpu.vector_store %arg11[%parallel_loop3A_163, %parallel_loop3A_164], %parallel_loop3A_167 {strides = array<i32>} : memref<104x128xf32, #tpu.memory_space<vmem>>, vector<1x16xf32>,
        %parallel_loop3A_168 = arith.index_cast %parallel_loop3A_103 : i32 to index
        %parallel_loop3A_169 = arith.constant 64 : index
        %parallel_loop3A_170 = tpu.vector_load %arg9[%parallel_loop3A_168, %parallel_loop3A_169] {strides = array<i32>} : memref<104x128xf32, #tpu.memory_space<vmem>>, vector<1x16xf32>,
        %parallel_loop3A_171 = vector.shape_cast %parallel_loop3A_170 : vector<1x16xf32> to vector<16xf32>
        %parallel_loop3A_172 = arith.constant 1 : i32
        %parallel_loop3A_173 = arith.index_cast %parallel_loop3A_172 : i32 to index
        %parallel_loop3A_174 = arith.index_cast %parallel_loop3A_103 : i32 to index
        %parallel_loop3A_175 = arith.constant 64 : index
        %parallel_loop3A_176 = tpu.vector_load %arg7[%parallel_loop3A_173, %parallel_loop3A_174, %parallel_loop3A_175] {strides = array<i32>} : memref<2x104x128xf32, #tpu.memory_space<vmem>>, vector<1x1x16xf32>,
        %parallel_loop3A_177 = vector.shape_cast %parallel_loop3A_176 : vector<1x1x16xf32> to vector<16xf32>
        %parallel_loop3A_178 = arith.addf %parallel_loop3A_171, %parallel_loop3A_177 : vector<16xf32>
        %parallel_loop3A_179 = arith.index_cast %parallel_loop3A_103 : i32 to index
        %parallel_loop3A_180 = arith.constant 64 : index
        %parallel_loop3A_181 = tpu.vector_load %arg11[%parallel_loop3A_179, %parallel_loop3A_180] {strides = array<i32>} : memref<104x128xf32, #tpu.memory_space<vmem>>, vector<1x16xf32>,
        %parallel_loop3A_182 = vector.shape_cast %parallel_loop3A_181 : vector<1x16xf32> to vector<16xf32>
        %parallel_loop3A_183 = vector.shape_cast %parallel_loop3A_178 : vector<16xf32> to vector<1x16xf32>
        tpu.vector_store %arg11[%parallel_loop3A_179, %parallel_loop3A_180], %parallel_loop3A_183 {strides = array<i32>} : memref<104x128xf32, #tpu.memory_space<vmem>>, vector<1x16xf32>,
        %parallel_loop3A_184 = arith.index_cast %parallel_loop3A_103 : i32 to index
        %parallel_loop3A_185 = arith.constant 80 : index
        %parallel_loop3A_186 = tpu.vector_load %arg9[%parallel_loop3A_184, %parallel_loop3A_185] {strides = array<i32>} : memref<104x128xf32, #tpu.memory_space<vmem>>, vector<1x16xf32>,
        %parallel_loop3A_187 = vector.shape_cast %parallel_loop3A_186 : vector<1x16xf32> to vector<16xf32>
        %parallel_loop3A_188 = arith.constant 1 : i32
        %parallel_loop3A_189 = arith.index_cast %parallel_loop3A_188 : i32 to index
        %parallel_loop3A_190 = arith.index_cast %parallel_loop3A_103 : i32 to index
        %parallel_loop3A_191 = arith.constant 80 : index
        %parallel_loop3A_192 = tpu.vector_load %arg7[%parallel_loop3A_189, %parallel_loop3A_190, %parallel_loop3A_191] {strides = array<i32>} : memref<2x104x128xf32, #tpu.memory_space<vmem>>, vector<1x1x16xf32>,
        %parallel_loop3A_193 = vector.shape_cast %parallel_loop3A_192 : vector<1x1x16xf32> to vector<16xf32>
        %parallel_loop3A_194 = arith.addf %parallel_loop3A_187, %parallel_loop3A_193 : vector<16xf32>
        %parallel_loop3A_195 = arith.index_cast %parallel_loop3A_103 : i32 to index
        %parallel_loop3A_196 = arith.constant 80 : index
        %parallel_loop3A_197 = tpu.vector_load %arg11[%parallel_loop3A_195, %parallel_loop3A_196] {strides = array<i32>} : memref<104x128xf32, #tpu.memory_space<vmem>>, vector<1x16xf32>,
        %parallel_loop3A_198 = vector.shape_cast %parallel_loop3A_197 : vector<1x16xf32> to vector<16xf32>
        %parallel_loop3A_199 = vector.shape_cast %parallel_loop3A_194 : vector<16xf32> to vector<1x16xf32>
        tpu.vector_store %arg11[%parallel_loop3A_195, %parallel_loop3A_196], %parallel_loop3A_199 {strides = array<i32>} : memref<104x128xf32, #tpu.memory_space<vmem>>, vector<1x16xf32>,
        %parallel_loop3A_200 = arith.index_cast %parallel_loop3A_103 : i32 to index
        %parallel_loop3A_201 = arith.constant 96 : index
        %parallel_loop3A_202 = tpu.vector_load %arg9[%parallel_loop3A_200, %parallel_loop3A_201] {strides = array<i32>} : memref<104x128xf32, #tpu.memory_space<vmem>>, vector<1x16xf32>,
        %parallel_loop3A_203 = vector.shape_cast %parallel_loop3A_202 : vector<1x16xf32> to vector<16xf32>
        %parallel_loop3A_204 = arith.constant 1 : i32
        %parallel_loop3A_205 = arith.index_cast %parallel_loop3A_204 : i32 to index
        %parallel_loop3A_206 = arith.index_cast %parallel_loop3A_103 : i32 to index
        %parallel_loop3A_207 = arith.constant 96 : index
        %parallel_loop3A_208 = tpu.vector_load %arg7[%parallel_loop3A_205, %parallel_loop3A_206, %parallel_loop3A_207] {strides = array<i32>} : memref<2x104x128xf32, #tpu.memory_space<vmem>>, vector<1x1x16xf32>,
        %parallel_loop3A_209 = vector.shape_cast %parallel_loop3A_208 : vector<1x1x16xf32> to vector<16xf32>
        %parallel_loop3A_210 = arith.addf %parallel_loop3A_203, %parallel_loop3A_209 : vector<16xf32>
        %parallel_loop3A_211 = arith.index_cast %parallel_loop3A_103 : i32 to index
        %parallel_loop3A_212 = arith.constant 96 : index
        %parallel_loop3A_213 = tpu.vector_load %arg11[%parallel_loop3A_211, %parallel_loop3A_212] {strides = array<i32>} : memref<104x128xf32, #tpu.memory_space<vmem>>, vector<1x16xf32>,
        %parallel_loop3A_214 = vector.shape_cast %parallel_loop3A_213 : vector<1x16xf32> to vector<16xf32>
        %parallel_loop3A_215 = vector.shape_cast %parallel_loop3A_210 : vector<16xf32> to vector<1x16xf32>
        tpu.vector_store %arg11[%parallel_loop3A_211, %parallel_loop3A_212], %parallel_loop3A_215 {strides = array<i32>} : memref<104x128xf32, #tpu.memory_space<vmem>>, vector<1x16xf32>,
        %parallel_loop3A_216 = arith.index_cast %parallel_loop3A_103 : i32 to index
        %parallel_loop3A_217 = arith.constant 112 : index
        %parallel_loop3A_218 = tpu.vector_load %arg9[%parallel_loop3A_216, %parallel_loop3A_217] {strides = array<i32>} : memref<104x128xf32, #tpu.memory_space<vmem>>, vector<1x16xf32>,
        %parallel_loop3A_219 = vector.shape_cast %parallel_loop3A_218 : vector<1x16xf32> to vector<16xf32>
        %parallel_loop3A_220 = arith.constant 1 : i32
        %parallel_loop3A_221 = arith.index_cast %parallel_loop3A_220 : i32 to index
        %parallel_loop3A_222 = arith.index_cast %parallel_loop3A_103 : i32 to index
        %parallel_loop3A_223 = arith.constant 112 : index
        %parallel_loop3A_224 = tpu.vector_load %arg7[%parallel_loop3A_221, %parallel_loop3A_222, %parallel_loop3A_223] {strides = array<i32>} : memref<2x104x128xf32, #tpu.memory_space<vmem>>, vector<1x1x16xf32>,
        %parallel_loop3A_225 = vector.shape_cast %parallel_loop3A_224 : vector<1x1x16xf32> to vector<16xf32>
        %parallel_loop3A_226 = arith.addf %parallel_loop3A_219, %parallel_loop3A_225 : vector<16xf32>
        %parallel_loop3A_227 = arith.index_cast %parallel_loop3A_103 : i32 to index
        %parallel_loop3A_228 = arith.constant 112 : index
        %parallel_loop3A_229 = tpu.vector_load %arg11[%parallel_loop3A_227, %parallel_loop3A_228] {strides = array<i32>} : memref<104x128xf32, #tpu.memory_space<vmem>>, vector<1x16xf32>,
        %parallel_loop3A_230 = vector.shape_cast %parallel_loop3A_229 : vector<1x16xf32> to vector<16xf32>
        %parallel_loop3A_231 = vector.shape_cast %parallel_loop3A_226 : vector<16xf32> to vector<1x16xf32>
        tpu.vector_store %arg11[%parallel_loop3A_227, %parallel_loop3A_228], %parallel_loop3A_231 {strides = array<i32>} : memref<104x128xf32, #tpu.memory_space<vmem>>, vector<1x16xf32>,
      } {sc.loop_unroll_factor = 4 : i64, sc.parallel_access}
      %add3A_87 = arith.addi %mul3A_2, %scan3A_45 : i32
      %dma_start3A_88 = arith.constant 96 : i32
      %dma_start3A_89 = arith.constant 0 : i32
      %dma_start3A_90 = tpu.memref_slice %arg5[%add3A_87, %dma_start3A_88, %dma_start3A_89] : memref<1024x200x128xf32, #tpu.memory_space<hbm>> -> memref<1x104x128xf32, #tpu.memory_space<hbm>>
      %dma_start3A_91 = tpu.memref_squeeze %dma_start3A_90 : memref<1x104x128xf32, #tpu.memory_space<hbm>> -> memref<104x128xf32, #tpu.memory_space<hbm>>
      %dma_start3A_92 = arith.constant 96 : i32
      %dma_start3A_93 = arith.constant 0 : i32
      %dma_start3A_94 = tpu.memref_slice %arg5[%add3A_87, %dma_start3A_92, %dma_start3A_93] : memref<1024x200x128xf32, #tpu.memory_space<hbm>> -> memref<1x104x128xf32, #tpu.memory_space<hbm>>
      %dma_start3A_95 = tpu.memref_squeeze %dma_start3A_94 : memref<1x104x128xf32, #tpu.memory_space<hbm>> -> memref<104x128xf32, #tpu.memory_space<hbm>>
      tpu.enqueue_dma source(%arg11 : memref<104x128xf32, #tpu.memory_space<vmem>>) target(%dma_start3A_95 : memref<104x128xf32, #tpu.memory_space<hbm>>) target_semaphore(%arg15 : memref<!tpu.dma_semaphore, #tpu.memory_space<semaphore_mem>>)
      %add3A_96 = arith.constant 1 : i32
      %add3A_97 = arith.addi %scan3A_45, %add3A_96 : i32
      %lt3A_98 = arith.constant 32 : i32
      %lt3A_99 = arith.cmpi slt, %add3A_97, %lt3A_98 : i32
      %convert_element_type3A_100 = arith.extui %lt3A_99 : i1 to i32
      %cond3A_101 = arith.constant 0 : i32
      %cond3A_102 = arith.cmpi ne, %convert_element_type3A_100, %cond3A_101 : i32
      scf.if %cond3A_102 {
        %add3A_103 = arith.constant 1 : i32
        %add3A_104 = arith.addi %scan3A_45, %add3A_103 : i32
        %dma_start3A_105 = arith.constant 1 : i32
        %dma_start3A_106 = arith.constant 0 : i32
        %dma_start3A_107 = tpu.memref_slice %arg6[%add3A_104, %dma_start3A_105, %dma_start3A_106] : memref<32x2x104xi32, #tpu.memory_space<vmem>> -> memref<1x1x104xi32, #tpu.memory_space<vmem>>
        %dma_start3A_108 = tpu.memref_squeeze %dma_start3A_107 : memref<1x1x104xi32, #tpu.memory_space<vmem>> -> memref<104xi32, #tpu.memory_space<vmem>>
        %dma_start3A_109 = arith.constant 0 : i32
        %dma_start3A_110 = arith.constant 0 : i32
        %dma_start3A_111 = tpu.memref_slice %arg3[%dma_start3A_109, %dma_start3A_110] : memref<100000x128xf32, #tpu.memory_space<hbm>> -> memref<100000x128xf32, #tpu.memory_space<hbm>>
        tpu.enqueue_indirect_dma source(%dma_start3A_111 : memref<100000x128xf32, #tpu.memory_space<hbm>>) target(%arg9 : memref<104x128xf32, #tpu.memory_space<vmem>>) offsets(%dma_start3A_108 : memref<104xi32, #tpu.memory_space<vmem>>) semaphore(%arg13 : memref<!tpu.dma_semaphore, #tpu.memory_space<semaphore_mem>>)
      } else {
      }
    }
    %scan3A_22 = arith.constant 32 : i32
    %add3A_23 = arith.constant 32 : i32
    %add3A_24 = arith.addi %mul3A_2, %add3A_23 : i32
    %sub3A = arith.constant 1 : i32
    %sub3A_25 = arith.subi %add3A_24, %sub3A : i32
    %dma_wait3A = arith.constant 0 : i32
    %dma_wait3A_26 = arith.constant 0 : i32
    %dma_wait3A_27 = tpu.memref_slice %arg5[%sub3A_25, %dma_wait3A, %dma_wait3A_26] : memref<1024x200x128xf32, #tpu.memory_space<hbm>> -> memref<1x96x128xf32, #tpu.memory_space<hbm>>
    %dma_wait3A_28 = tpu.memref_squeeze %dma_wait3A_27 : memref<1x96x128xf32, #tpu.memory_space<hbm>> -> memref<96x128xf32, #tpu.memory_space<hbm>>
    %dma_wait3A_29 = arith.constant 0 : i32
    %dma_wait3A_30 = arith.constant 0 : i32
    %dma_wait3A_31 = tpu.memref_slice %arg5[%sub3A_25, %dma_wait3A_29, %dma_wait3A_30] : memref<1024x200x128xf32, #tpu.memory_space<hbm>> -> memref<1x96x128xf32, #tpu.memory_space<hbm>>
    %dma_wait3A_32 = tpu.memref_squeeze %dma_wait3A_31 : memref<1x96x128xf32, #tpu.memory_space<hbm>> -> memref<96x128xf32, #tpu.memory_space<hbm>>
    tpu.wait_dma2 semaphore(%arg14 : memref<!tpu.dma_semaphore, #tpu.memory_space<semaphore_mem>>) src(%arg10 : memref<96x128xf32, #tpu.memory_space<vmem>>) dst(%dma_wait3A_32 : memref<96x128xf32, #tpu.memory_space<hbm>>)
    %add3A_33 = arith.constant 32 : i32
    %add3A_34 = arith.addi %mul3A_2, %add3A_33 : i32
    %sub3A_35 = arith.constant 1 : i32
    %sub3A_36 = arith.subi %add3A_34, %sub3A_35 : i32
    %dma_wait3A_37 = arith.constant 96 : i32
    %dma_wait3A_38 = arith.constant 0 : i32
    %dma_wait3A_39 = tpu.memref_slice %arg5[%sub3A_36, %dma_wait3A_37, %dma_wait3A_38] : memref<1024x200x128xf32, #tpu.memory_space<hbm>> -> memref<1x104x128xf32, #tpu.memory_space<hbm>>
    %dma_wait3A_40 = tpu.memref_squeeze %dma_wait3A_39 : memref<1x104x128xf32, #tpu.memory_space<hbm>> -> memref<104x128xf32, #tpu.memory_space<hbm>>
    %dma_wait3A_41 = arith.constant 96 : i32
    %dma_wait3A_42 = arith.constant 0 : i32
    %dma_wait3A_43 = tpu.memref_slice %arg5[%sub3A_36, %dma_wait3A_41, %dma_wait3A_42] : memref<1024x200x128xf32, #tpu.memory_space<hbm>> -> memref<1x104x128xf32, #tpu.memory_space<hbm>>
    %dma_wait3A_44 = tpu.memref_squeeze %dma_wait3A_43 : memref<1x104x128xf32, #tpu.memory_space<hbm>> -> memref<104x128xf32, #tpu.memory_space<hbm>>
    tpu.wait_dma2 semaphore(%arg15 : memref<!tpu.dma_semaphore, #tpu.memory_space<semaphore_mem>>) src(%arg11 : memref<104x128xf32, #tpu.memory_space<vmem>>) dst(%dma_wait3A_44 : memref<104x128xf32, #tpu.memory_space<hbm>>)
    return
  }
}

</mosaic_0001>

<sc_bundles>
// kernel: kernel.3.cloned.1.call-start
scs
__scs_entry_jumppad:
0x0: {  	(pc) =	sbr.rel $0x88, $3  }
0x1: {  	(tag) =	ssettag $0x0;
	lr =	simm.s32 $0x1  }
0x2: {  	[smem:$0x3F9E] =	sst lr;
	_ =	strace $0xD0000000  }
0x3: {  	_ = 	snop  }
0x4: {  	_ = 	snop  }
0x5: {  	_ = 	snop  }
0x6: {  	_ = 	snop  }
0x7: {  	_ = 	snop  }
__scs_overlays_trampoline_lowered:
0x8: {  	[smem:$0x3FAD] =	sst s0  }
0x9: {  	[smem:$0x3FAE] =	sst s1  }
0xa: {  	[smem:$0x3FAF] =	sst s2  }
0xb: {  	[smem:$0x3FB0] =	sst s3  }
0xc: {  	[smem:$0x3FB1] =	sst s4  }
0xd: {  	[smem:$0x3FB2] =	sst s5  }
0xe: {  	[smem:$0x3FB3] =	sst s6  }
0xf: {  	[smem:$0x3FB4] =	sst s7  }
0x10: {  	[smem:$0x3FB5] =	sst s8  }
0x11: {  	[smem:$0x3FB6] =	sst s9;
	s0 =	simm.s32 @!p0 $0x0  }
0x12: {  	s1 =	sld [smem:$0x3F9C];
	s0 =	simm.s32 @p0 $0x1  }
0x13: {  	[smem:$0x3FB7] =	sst s0;
	s0 =	simm.s32 @!p1 $0x0  }
0x14: {  	s2 =	sld [smem:$0x3F9B];
	s0 =	simm.s32 @p1 $0x1  }
0x15: {  	[smem:$0x3FB8] =	sst s0;
	s0 =	simm.s32 @!p2 $0x0  }
0x16: {  	s3 =	sld [smem:$0x3FDB];
	s0 =	simm.s32 @p2 $0x1  }
0x17: {  	s4 =	simm.s32 $0x1BF5;
	[smem:$0x3FBA] =	sst s0  }
0x18: {  	s0 =	sld [smem:$0x3F9D];
	_ =	swait.ge [sflag:s4], $0x0  }
0x19: {  	s7 =	sld [smem:$0x3F9E]  }
0x1a: {  	s8 =	sadd.s32 $0xFFFFE003, lr  }
0x1b: {  	s9 =	sadd.s32 $0xFFFFFEF7, lr;
	s5 =	simm.s32 $0xFFFFFFFF;
	p2 =	slt.u32 s8, $0xFFFFF086  }
0x1c: {  	p1 =	slt.u32 s9, $0xF7A;
	s5 =	simm.s32 @!p2 $0x0  }
0x1d: {  	s5 =	simm.s32 @p1 $0x1;
	p0 =	seq.s32 s7, s2  }
0x1e: {  	s7 =	smul.u32 @!p0 $0xF7A, s2;
	p2 =	seq.s32 @!p0 s5, $0x0  }
0x1f: {  	s9 =	smul.u32 $0xF7A, s1;
	s8 =	simm.s32 @!p0 $0x1BF5;
	p2 =	por !p2, p0  }
0x20: {  	[sflag:s8] =	ssyncset.s32 @!p0 $0xFFFFF086;
	s6 =	sadd.s32 @!p0 s3, s7;
	s7 =	simm.s32 @!p0 $0x108  }
0x21: {  	s3 =	sadd.s32 s3, s9;
	s6 =	sadd.s32 @!p0 $0x88, s6;
	s7 =	simm.s32 @p2 $0x1082  }
0x22: {  	[simem:s7], [sflag:s8] =	dma.local @!p0 [hbm:s6], $0xF7A  }
0x23: {  	s9 =	sor.u32 $0xD0000000, s2;
	s6 =	simm.s32 $0x108;
	_ =	swait.ge @!p0 [sflag:s8], $0x0  }
0x24: {  	s3 =	sadd.s32 $0x88, s3;
	s6 =	simm.s32 @!p1 $0x1082;
	[sflag:s4] =	ssyncset.s32 $0xFFFFF086  }
0x25: {  	[simem:s6], [sflag:s4] =	dma.local [hbm:s3], $0xF7A  }
0x26: {  	[smem:$0x3F9E] =	sst s1;
	(tag) =	ssettag s2;
	_ =	strace s9  }
0x27: {  	s1 =	sld [smem:$0x3FAE]  }
0x28: {  	s2 =	sld [smem:$0x3FAF]  }
0x29: {  	s4 =	sld [smem:$0x3FB1]  }
0x2a: {  	p0 =	seq.s32 s5, $0x0;
	s5 =	sld [smem:$0x3FB2]  }
0x2b: {  	s6 =	sld [smem:$0x3FB3]  }
0x2c: {  	s7 =	sld [smem:$0x3FB4]  }
0x2d: {  	s3 =	simm.s32 $0x108;
	s8 =	sld [smem:$0x3FB5]  }
0x2e: {  	s3 =	simm.s32 @!p0 $0x1082;
	s9 =	sld [smem:$0x3FB6]  }
0x2f: {  	lr =	sadd.s32 s0, s3;
	s0 =	sld [smem:$0x3FAD]  }
0x30: {  	s3 =	sld [smem:$0x3FB0]  }
0x31: {  	[smem:$0x3FB9] =	sst s10  }
0x32: {  	s10 =	sld [smem:$0x3FB7];
	_ =	sdelay $0x3  }
0x33: {  	p0 =	seq.s32 s10, $0x1;
	s10 =	sld [smem:$0x3FB9];
	_ =	sdelay $0x3  }
0x34: {  	[smem:$0x3FB9] =	sst s10  }
0x35: {  	s10 =	sld [smem:$0x3FB8];
	_ =	sdelay $0x3  }
0x36: {  	p1 =	seq.s32 s10, $0x1;
	s10 =	sld [smem:$0x3FB9];
	_ =	sdelay $0x3  }
0x37: {  	[smem:$0x3FB9] =	sst s10  }
0x38: {  	s10 =	sld [smem:$0x3FBA]  }
0x39: {  	_ = 	snop;
	(pc) =	sbr.ind lr, $3  }
0x3a: {  	_ = 	snop  }
0x3b: {  	_ = 	snop  }
0x3c: {  	p2 =	seq.s32 s10, $0x1;
	s10 =	sld [smem:$0x3FB9]  }
0x3d: {  	_ =	shalt  }
0x3e: {  	_ =	shalt  }
0x3f: {  	_ =	shalt  }
0x40: {  	_ =	shalt  }
0x41: {  	_ =	shalt  }
0x42: {  	_ =	shalt  }
0x43: {  	_ =	shalt  }
0x44: {  	_ =	shalt  }
0x45: {  	_ =	shalt  }
0x46: {  	_ =	shalt  }
0x47: {  	_ =	shalt  }
0x48: {  	_ =	shalt  }
0x49: {  	_ =	shalt  }
0x4a: {  	_ =	shalt  }
0x4b: {  	_ =	shalt  }
0x4c: {  	_ =	shalt  }
0x4d: {  	_ =	shalt  }
0x4e: {  	_ =	shalt  }
0x4f: {  	_ =	shalt  }
0x50: {  	_ =	shalt  }
0x51: {  	_ =	shalt  }
0x52: {  	_ =	shalt  }
0x53: {  	_ =	shalt  }
0x54: {  	_ =	shalt  }
0x55: {  	_ =	shalt  }
0x56: {  	_ =	shalt  }
0x57: {  	_ =	shalt  }
0x58: {  	_ =	shalt  }
0x59: {  	_ =	shalt  }
0x5a: {  	_ =	shalt  }
0x5b: {  	_ =	shalt  }
0x5c: {  	_ =	shalt  }
0x5d: {  	_ =	shalt  }
0x5e: {  	_ =	shalt  }
0x5f: {  	_ =	shalt  }
0x60: {  	_ =	shalt  }
0x61: {  	_ =	shalt  }
0x62: {  	_ =	shalt  }
0x63: {  	_ =	shalt  }
0x64: {  	_ =	shalt  }
0x65: {  	_ =	shalt  }
0x66: {  	_ =	shalt  }
0x67: {  	_ =	shalt  }
0x68: {  	_ =	shalt  }
0x69: {  	_ =	shalt  }
0x6a: {  	_ =	shalt  }
0x6b: {  	_ =	shalt  }
0x6c: {  	_ =	shalt  }
0x6d: {  	_ =	shalt  }
0x6e: {  	_ =	shalt  }
0x6f: {  	_ =	shalt  }
0x70: {  	_ =	shalt  }
0x71: {  	_ =	shalt  }
0x72: {  	_ =	shalt  }
0x73: {  	_ =	shalt  }
0x74: {  	_ =	shalt  }
0x75: {  	_ =	shalt  }
0x76: {  	_ =	shalt  }
0x77: {  	_ =	shalt  }
0x78: {  	_ =	shalt  }
0x79: {  	_ =	shalt  }
0x7a: {  	_ =	shalt  }
0x7b: {  	_ =	shalt  }
0x7c: {  	_ =	shalt  }
0x7d: {  	_ =	shalt  }
0x7e: {  	_ =	shalt  }
0x7f: {  	_ =	shalt  }
0x80: {  	_ =	shalt  }
0x81: {  	_ =	shalt  }
0x82: {  	_ =	shalt  }
0x83: {  	_ =	shalt  }
0x84: {  	_ =	shalt  }
0x85: {  	_ =	shalt  }
0x86: {  	_ =	shalt  }
0x87: {  	_ =	shalt  }
.Lfunc_end0:
.L_simem_size_0:
called_computation_lowered:
.L_overlay_start_0:
0x88: {  	s2 =	sld [smem:$0x3FD9]  }
0x89: {  	s3 =	sld [smem:$0x3FFE];
	_ =	sdelay $0x1  }
0x8a: {  	s1 =	srdreg.scid  }
0x8b: {  	s0 =	sand.u32 $0x1, s1  }
0x8c: {  	s17 =	sshll.u32 s0, $0xA;
	s2 =	sadd.s32 s3, s2  }
0x8d: {  	s2 =	sadd.s32 s2, s17  }
0x8e: {  	[smem:$0x3FC5] =	sst s2  }
0x8f: {  	_ = 	snop  }
0x90: {  	s2 =	sld [smem:$0x3FC8]  }
0x91: {  	s18 =	sld [smem:$0x3FD0];
	(tm) =	ssettm $0x1  }
0x92: {  	s4 =	sld [smem:$0x3FFB];
	_ =	sdelay $0x3  }
0x93: {  	_ =	strace s4  }
0x94: {  	s4 =	sld [smem:$0x3FFC];
	_ =	sdelay $0x3  }
0x95: {  	_ =	strace s4  }
0x96: {  	s4 =	sld [smem:$0x3FFD];
	_ =	sdelay $0x3  }
0x97: {  	_ =	strace s4  }
0x98: {  	_ =	strace $0x8FFFFFFF  }
0x99: {  	s19 =	sld [smem:$0x3FDB];
	_ =	sdelay $0x1  }
0x9a: {  	s5 =	simm.s32 $_scs_section_size  }
0x9b: {  	s6 =	simm.s32 $_size__tile_overlayer_lowered;
	s7 =	simm.s32 $_tile_overlayer_lowered  }
0x9c: {  	s22 =	simm.s32 $0x1BFF;
	s21 =	sshll.u32 s7, $0x1;
	s4 =	sadd.s32 s5, s19  }
0x9d: {  	s8 =	simm.s32 $0x0;
	s20 =	sshll.u32 s6, $0x1;
	s6 =	sadd.s32 s21, s4  }
0x9e: {  	[timem:s8], [sflag:s22] =	dma.local [hbm:s6], s20  }
0x9f: {  	_ =	swait.ge [sflag:s22], s20  }
0xa0: {  	s5 =	ssub.s32 $0x0, s20;
	[sflag:s22] =	ssyncset.done $0x0  }
0xa1: {  	[sflag:s22] =	ssyncadd.s32 s5;
	_ =	sdelay $0x1  }
0xa2: {  	s23 =	simm.s32 $0x1B8B  }
0xa3: {  	_ =	swait.ge [sflag:s23], $0x1  }
0xa4: {  	[sflag:s23] =	ssyncset.done $0x0  }
0xa5: {  	s25 =	simm.s32 $0x1B8E;
	s24 =	sld [smem:$0x3FFE];
	[sflag:s23] =	ssyncadd.s32 $0xFFFFFFFF  }
0xa6: {  	s26 =	simm.s32 $execute0_lowered;
	[smem:$0x3FD2] =	sst s25  }
0xa7: {  	s6 =	sshll.u32 s26, $0x1;
	_ =	strace $0x80000046;
	[dreg:$0x1] =	wrdreg $0xFFFFFFFF  }
0xa8: {  	s28 =	simm.s32 $_size_execute0_lowered;
	s4 =	sadd.s32 s4, s6;
	[dreg:$0x0] =	wrdreg $0x0  }
0xa9: {  	s6 =	sshll.u32 s28, $0x1;
	[dreg:$0x2] =	wrdreg s4  }
0xaa: {  	[dreg:$0x3] =	wrdreg s6  }
0xab: {  	[dreg:$0x4] =	wrdreg $0xC0  }
0xac: {  	_ =	task [dreg:s8], $0x5FFFF  }
0xad: {  	[dreg:$0x1] =	wrdreg $0xFFFFFFFF  }
0xae: {  	[dreg:$0x0] =	wrdreg $0x60  }
0xaf: {  	[dreg:$0x2] =	wrdreg s24  }
0xb0: {  	[dreg:$0x3] =	wrdreg s2  }
0xb1: {  	[dreg:$0x4] =	wrdreg s18  }
0xb2: {  	[dreg:$0x5] =	wrdreg $0x9  }
0xb3: {  	_ =	task.clear_ibuf [dreg:s8], $0x6FFFF;
	_ =	strace $0x90000046  }
0xb4: {  	s29 =	simm.s32 $0x9;
	_ =	strace $0x80000048  }
0xb5: {  	_ =	swait.ge [sflag:s29], $0x1  }
0xb6: {  	[sflag:s29] =	ssyncadd.s32 $0xFFFFFFFF  }
0xb7: {  	_ =	strace $0x90000048  }
0xb8: {  	_ =	sfence  }
0xb9: {  	s30 =	sld [smem:$0x0];
	_ =	sdelay $0x2  }
0xba: {  	s31 =	sshll.u32 s1, $0xD;
	s1 =	sshrl.u32 s1, $0x2  }
0xbb: {  	s3 =	sand.u32 $0x4000, s31;
	s1 =	sadd.s32 s1, s30  }
0xbc: {  	s0 =	sor.u32 s3, s0;
	s1 =	sshll.u32 s1, $0x11  }
0xbd: {  	s0 =	sor.u32 s1, s0  }
0xbe: {  	s0 =	sadd.s32 $0x8F2B, s0  }
0xbf: {  	[sflag:s0] =	ssyncadd.remote.s32 $0x1  }
0xc0: {  	_ =	sfence.sel $0xFFFF  }
0xc1: {  	[dreg:$0x0] =	wrdreg $0xFFFFFFFF;
	(pc) =	sbr.abs _section_cstart, $3  }
0xc2: {  	[dreg:$0x1] =	wrdreg $0xFFFFFFFF  }
0xc3: {  	_ =	task.clear_ibuf [dreg:s8], $0x2FFFF;
	_ =	strace $0x9FFFFFFF  }
0xc4: {  	(tm) =	ssettm $0x7FFFFFFF  }
0xc5: {  	_ =	shalt  }
tec
execute0_lowered:
.L_overlay_start_1:
0x0: {  	(tag) =	ssettag $0x1  }
0x1: {  	s0 =	rddreg [dreg:$0x0];
	s1 =	srdreg.scid  }
0x2: {  	s2 =	rddreg [dreg:$0x1];
	s4 =	stileid.u32  }
0x3: {  	s3 =	rddreg [dreg:$0x2];
	s9 =	simm.s32 $0x6;
	s10 =	simm.s32 $0x2000  }
0x4: {  	s11 =	simm.s32 $0x68;
	s12 =	simm.s32 $0x8800;
	s13 =	simm.s32 $0x80  }
0x5: {  	s14 =	simm.s32 $0xBC00;
	s15 =	simm.s32 $0x5;
	s16 =	simm.s32 $0x1  }
0x6: {  	s17 =	simm.s32 $0xF000;
	s18 =	simm.s32 $0x2;
	s19 =	simm.s32 $0x4  }
0x7: {  	s20 =	simm.s32 $0x12000;
	s21 =	simm.s32 $0x3;
	s1 =	sand.u32 $0x1, s1  }
0x8: {  	s22 =	simm.s32 $0x0;
	s5 =	sshll.u32 s4, $0x6;
	s6 =	sshll.u32 s1, $0x5  }
0x9: {  	s4 =	simm.s32 $0x0;
	s1 =	ssub.s32 $0x2, s1;
	s5 =	sor.u32 s6, s5  }
0xa: {  	[smem:$0x7FF] =	sst s4;
	s8 =	sshrl.u32 s1, $0x1;
	s6 =	sshll.u32 s5, $0x5  }
0xb: {  	_ =	strace $0x80000047;
	s31 =	ssub.s32 s1, s8;
	s7 =	sadd.s32 s6, s0  }
0xc: {  	s6 =	sadd.s32 $0x800, s0;
	s8 =	smax.u32 s31, $0x1;
	s7 =	sadd.s32 $0x1600, s7  }
.LBB2_1:
0xd: {  	[tilespmem:s4], [sflag:$0x6] =	stream.linear.gather [hbm4b:s7+s4], $0x2000, $0x38;
	[tilespmem:$0x15400] =	vst v63  }
0xe: {  	_ =	swait.ge [sflag:s9], $0x2000  }
0xf: {  	[sflag:s9] =	ssyncset.done $0x0  }
0x10: {  	[sflag:s9] =	ssyncadd.s32 $0xFFFFE000  }
0x11: {  	[tilespmem:s10], [sflag:$0x5] =	stream.linear.gather [hbm4b:s6+s4], $0x6800, $0x38;
	[tilespmem:$0x15400] =	vst v63  }
0x12: {  	_ = 	snop  }
0x13: {  	[tilespmem:s12], [sflag:$0x1] =	stream.indirect.gather [hbm4b:s2+s11], $0x80, s4, s11, $0xb8;
	[tilespmem:$0x15400] =	vst v63  }
0x14: {  	_ = 	snop  }
0x15: {  	[tilespmem:s14], [sflag:$0x2] =	stream.indirect.gather [hbm4b:s2+s11], $0x80, s13, s11, $0xb8;
	[tilespmem:$0x15400] =	vst v63  }
0x16: {  	_ =	swait.ge [sflag:s15], $0x6800  }
0x17: {  	[sflag:s15] =	ssyncset.done $0x0  }
0x18: {  	s23 =	simm.s32 $0x0;
	[sflag:s15] =	ssyncadd.s32 $0xFFFF9800  }
.LBB2_2:
0x19: {  	_ =	swait.ge [sflag:s16], $0x3400  }
0x1a: {  	p0 =	seq.s32 s23, $0x0;
	[sflag:s16] =	ssyncset.done $0x0  }
0x1b: {  	s0 =	simm.s32 @!p0 $0x3;
	[sflag:s16] =	ssyncadd.s32 $0xFFFFCC00  }
0x1c: {  	_ =	swait.ge @!p0 [sflag:s0], $0x3000  }
0x1d: {  	[sflag:s0] =	ssyncset.done @!p0 $0x0  }
0x1e: {  	s24 =	simm.s32 $0x8900;
	[sflag:s0] =	ssyncadd.s32 @!p0 $0xFFFFD000  }
0x1f: {  	s25 =	simm.s32 $0x2100;
	v0 =	vld [tilespmem:s24+$0x80]  }
0x20: {  	v1 =	vld [tilespmem:s25+$0x80];
	_ =	sdelay $0x2  }
0x21: {  	v2 =	vld [tilespmem:s24+$0xFFFFFF80]  }
0x22: {  	v3 =	vld [tilespmem:s25+$0xFFFFFF80]  }
0x23: {  	v4 =	vld [tilespmem:s25+$0xFFFFFF00];
	v0 =	vadd.f32 v1, v0  }
0x24: {  	s26 =	simm.s32 $0xF100;
	v1 =	vld [tilespmem:s24+$0xFFFFFF00]  }
0x25: {  	[tilespmem:s26+$0x80] =	vst v0  }
0x26: {  	v0 =	vld [tilespmem:s24+$0x90]  }
0x27: {  	v2 =	vadd.f32 v3, v2;
	v3 =	vld [tilespmem:s25+$0x90]  }
0x28: {  	v5 =	vld [tilespmem:s24+$0x0]  }
0x29: {  	v6 =	vld [tilespmem:s25+$0x0];
	[tilespmem:s26+$0xFFFFFF80] =	vst v2;
	v1 =	vadd.f32 v4, v1  }
0x2a: {  	v2 =	vld [tilespmem:s24+$0xFFFFFF90]  }
0x2b: {  	v4 =	vld [tilespmem:s25+$0xFFFFFF90];
	[tilespmem:s26+$0xFFFFFF00] =	vst v1  }
0x2c: {  	v1 =	vld [tilespmem:s24+$0xFFFFFF10];
	v0 =	vadd.f32 v3, v0  }
0x2d: {  	v3 =	vld [tilespmem:s25+$0xFFFFFF10]  }
0x2e: {  	v5 =	vadd.f32 v6, v5;
	[tilespmem:s26+$0x90] =	vst v0  }
0x2f: {  	v0 =	vld [tilespmem:s24+$0xA0]  }
0x30: {  	[tilespmem:s26+$0x0] =	vst v5;
	v2 =	vadd.f32 v4, v2;
	v4 =	vld [tilespmem:s25+$0xA0]  }
0x31: {  	v5 =	vld [tilespmem:s24+$0x10]  }
0x32: {  	v6 =	vld [tilespmem:s25+$0x10];
	[tilespmem:s26+$0xFFFFFF90] =	vst v2;
	v1 =	vadd.f32 v3, v1  }
0x33: {  	v2 =	vld [tilespmem:s24+$0xFFFFFFA0]  }
0x34: {  	v3 =	vld [tilespmem:s25+$0xFFFFFFA0];
	[tilespmem:s26+$0xFFFFFF10] =	vst v1  }
0x35: {  	v1 =	vld [tilespmem:s24+$0xFFFFFF20];
	v0 =	vadd.f32 v4, v0  }
0x36: {  	v4 =	vld [tilespmem:s25+$0xFFFFFF20]  }
0x37: {  	v5 =	vadd.f32 v6, v5;
	[tilespmem:s26+$0xA0] =	vst v0  }
0x38: {  	v0 =	vld [tilespmem:s24+$0xB0]  }
0x39: {  	[tilespmem:s26+$0x10] =	vst v5;
	v2 =	vadd.f32 v3, v2;
	v3 =	vld [tilespmem:s25+$0xB0]  }
0x3a: {  	v5 =	vld [tilespmem:s24+$0x20]  }
0x3b: {  	[tilespmem:s26+$0xFFFFFFA0] =	vst v2;
	v2 =	vld [tilespmem:s25+$0x20];
	v1 =	vadd.f32 v4, v1  }
0x3c: {  	v4 =	vld [tilespmem:s24+$0xFFFFFFB0]  }
0x3d: {  	v6 =	vld [tilespmem:s25+$0xFFFFFFB0];
	[tilespmem:s26+$0xFFFFFF20] =	vst v1  }
0x3e: {  	v1 =	vld [tilespmem:s24+$0xFFFFFF30];
	v0 =	vadd.f32 v3, v0  }
0x3f: {  	v3 =	vld [tilespmem:s25+$0xFFFFFF30]  }
0x40: {  	v2 =	vadd.f32 v2, v5;
	[tilespmem:s26+$0xB0] =	vst v0  }
0x41: {  	v0 =	vld [tilespmem:s24+$0xC0]  }
0x42: {  	v4 =	vadd.f32 v6, v4;
	[tilespmem:s26+$0x20] =	vst v2;
	v2 =	vld [tilespmem:s25+$0xC0]  }
0x43: {  	v5 =	vld [tilespmem:s24+$0x30]  }
0x44: {  	[tilespmem:s26+$0xFFFFFFB0] =	vst v4;
	v1 =	vadd.f32 v3, v1;
	v3 =	vld [tilespmem:s25+$0x30]  }
0x45: {  	v4 =	vld [tilespmem:s24+$0xFFFFFFC0]  }
0x46: {  	[tilespmem:s26+$0xFFFFFF30] =	vst v1;
	v1 =	vld [tilespmem:s25+$0xFFFFFFC0]  }
0x47: {  	v6 =	vld [tilespmem:s24+$0xFFFFFF40];
	v0 =	vadd.f32 v2, v0  }
0x48: {  	v2 =	vld [tilespmem:s25+$0xFFFFFF40]  }
0x49: {  	v3 =	vadd.f32 v3, v5;
	[tilespmem:s26+$0xC0] =	vst v0  }
0x4a: {  	v0 =	vld [tilespmem:s24+$0xD0]  }
0x4b: {  	v1 =	vadd.f32 v1, v4;
	[tilespmem:s26+$0x30] =	vst v3;
	v3 =	vld [tilespmem:s25+$0xD0]  }
0x4c: {  	v4 =	vld [tilespmem:s24+$0x40]  }
0x4d: {  	v2 =	vadd.f32 v2, v6;
	[tilespmem:s26+$0xFFFFFFC0] =	vst v1;
	v1 =	vld [tilespmem:s25+$0x40]  }
0x4e: {  	v5 =	vld [tilespmem:s24+$0xFFFFFFD0]  }
0x4f: {  	[tilespmem:s26+$0xFFFFFF40] =	vst v2;
	v2 =	vld [tilespmem:s25+$0xFFFFFFD0]  }
0x50: {  	v6 =	vld [tilespmem:s24+$0xFFFFFF50];
	v0 =	vadd.f32 v3, v0  }
0x51: {  	v3 =	vld [tilespmem:s25+$0xFFFFFF50]  }
0x52: {  	v1 =	vadd.f32 v1, v4;
	[tilespmem:s26+$0xD0] =	vst v0  }
0x53: {  	v7 =	vld [tilespmem:s24+$0xE0]  }
0x54: {  	v0 =	vadd.f32 v2, v5;
	v5 =	vld [tilespmem:s25+$0xE0];
	[tilespmem:s26+$0x40] =	vst v1  }
0x55: {  	v1 =	vld [tilespmem:s24+$0x50]  }
0x56: {  	v2 =	vadd.f32 v3, v6;
	[tilespmem:s26+$0xFFFFFFD0] =	vst v0;
	v4 =	vld [tilespmem:s25+$0x50]  }
0x57: {  	v0 =	vld [tilespmem:s24+$0xFFFFFFE0]  }
0x58: {  	v3 =	vld [tilespmem:s25+$0xFFFFFFE0];
	[tilespmem:s26+$0xFFFFFF50] =	vst v2  }
0x59: {  	s29 =	simm.s32 $0x0;
	v2 =	vld [tilespmem:s24+$0xFFFFFF60];
	v6 =	vadd.f32 v5, v7  }
0x5a: {  	s30 =	simm.s32 $0x8B00;
	s1 =	simm.s32 $0x2100;
	s28 =	simm.s32 $0xF100;
	v5 =	vld [tilespmem:s25+$0xFFFFFF60]  }
.LBB2_3:
0x5b: {  	v7 =	vld [tilespmem:s30+$0x80];
	v1 =	vadd.f32 v4, v1;
	[tilespmem:s26+$0xE0] =	vst v6  }
0x5c: {  	v4 =	vld [tilespmem:s24+$0xF0]  }
0x5d: {  	s1 =	sadd.s32 $0x200, s1;
	v0 =	vadd.f32 v3, v0;
	[tilespmem:s26+$0x50] =	vst v1;
	v1 =	vld [tilespmem:s25+$0xF0]  }
0x5e: {  	v3 =	vld [tilespmem:s1+$0x80]  }
0x5f: {  	v6 =	vld [tilespmem:s1+$0xFFFFFF00];
	v2 =	vadd.f32 v5, v2;
	[tilespmem:s26+$0xFFFFFFE0] =	vst v0  }
0x60: {  	v0 =	vld [tilespmem:s30+$0xFFFFFF80]  }
0x61: {  	v5 =	vld [tilespmem:s1+$0xFFFFFF80];
	[tilespmem:s26+$0xFFFFFF60] =	vst v2  }
0x62: {  	v2 =	vld [tilespmem:s30+$0x0];
	v1 =	vadd.f32 v1, v4  }
0x63: {  	v4 =	vld [tilespmem:s1+$0x0];
	v3 =	vadd.f32 v3, v7  }
0x64: {  	s26 =	sadd.s32 $0x200, s26;
	v7 =	vld [tilespmem:s30+$0xFFFFFF00];
	[tilespmem:s28+$0xF0] =	vst v1  }
0x65: {  	s29 =	sadd.s32 $0x4, s29;
	[tilespmem:s26+$0x80] =	vst v3;
	v1 =	vld [tilespmem:s24+$0x60]  }
0x66: {  	p1 =	slt.u32 s29, $0x5C;
	v0 =	vadd.f32 v5, v0;
	v3 =	vld [tilespmem:s30+$0x90]  }
0x67: {  	v5 =	vld [tilespmem:s1+$0x90]  }
0x68: {  	[tilespmem:s26+$0xFFFFFF80] =	vst v0;
	v0 =	vadd.f32 v4, v2;
	v2 =	vld [tilespmem:s25+$0x60]  }
0x69: {  	v4 =	vadd.f32 v6, v7;
	v6 =	vld [tilespmem:s30+$0xFFFFFF90]  }
0x6a: {  	v7 =	vld [tilespmem:s1+$0xFFFFFF90];
	[tilespmem:s26+$0x0] =	vst v0  }
0x6b: {  	[tilespmem:s26+$0xFFFFFF00] =	vst v4;
	v0 =	vld [tilespmem:s30+$0x10]  }
0x6c: {  	v4 =	vld [tilespmem:s30+$0xFFFFFF10];
	v3 =	vadd.f32 v5, v3  }
0x6d: {  	v5 =	vld [tilespmem:s1+$0xFFFFFF10];
	v1 =	vadd.f32 v2, v1  }
0x6e: {  	v2 =	vld [tilespmem:s1+$0x10];
	[tilespmem:s26+$0x90] =	vst v3  }
0x6f: {  	v3 =	vadd.f32 v7, v6;
	v6 =	vld [tilespmem:s30+$0xA0];
	[tilespmem:s28+$0x60] =	vst v1  }
0x70: {  	v1 =	vld [tilespmem:s1+$0xA0]  }
0x71: {  	[tilespmem:s26+$0xFFFFFF90] =	vst v3;
	v3 =	vld [tilespmem:s24+$0xFFFFFF70]  }
0x72: {  	v4 =	vadd.f32 v5, v4;
	v5 =	vld [tilespmem:s30+$0xFFFFFFA0]  }
0x73: {  	v7 =	vld [tilespmem:s1+$0xFFFFFFA0];
	v0 =	vadd.f32 v2, v0  }
0x74: {  	[tilespmem:s26+$0xFFFFFF10] =	vst v4;
	v2 =	vld [tilespmem:s25+$0xFFFFFF70]  }
0x75: {  	v4 =	vld [tilespmem:s30+$0xFFFFFF20];
	[tilespmem:s26+$0x10] =	vst v0;
	v0 =	vadd.f32 v1, v6  }
0x76: {  	v1 =	vld [tilespmem:s1+$0xFFFFFF20]  }
0x77: {  	v6 =	vld [tilespmem:s30+$0x20];
	[tilespmem:s26+$0xA0] =	vst v0  }
0x78: {  	v0 =	vadd.f32 v7, v5;
	v5 =	vld [tilespmem:s30+$0xB0]  }
0x79: {  	v7 =	vld [tilespmem:s1+$0xB0];
	v2 =	vadd.f32 v2, v3  }
0x7a: {  	[tilespmem:s26+$0xFFFFFFA0] =	vst v0;
	v0 =	vld [tilespmem:s1+$0x20]  }
0x7b: {  	v1 =	vadd.f32 v1, v4;
	v3 =	vld [tilespmem:s30+$0xFFFFFFB0];
	[tilespmem:s28+$0xFFFFFF70] =	vst v2  }
0x7c: {  	v2 =	vld [tilespmem:s1+$0xFFFFFFB0]  }
0x7d: {  	[tilespmem:s26+$0xFFFFFF20] =	vst v1;
	v1 =	vld [tilespmem:s24+$0xFFFFFFF0]  }
0x7e: {  	v4 =	vld [tilespmem:s30+$0xFFFFFF30];
	v5 =	vadd.f32 v7, v5  }
0x7f: {  	v7 =	vld [tilespmem:s1+$0xFFFFFF30];
	v0 =	vadd.f32 v0, v6  }
0x80: {  	[tilespmem:s26+$0xB0] =	vst v5;
	v5 =	vld [tilespmem:s25+$0xFFFFFFF0]  }
0x81: {  	v2 =	vadd.f32 v2, v3;
	[tilespmem:s26+$0x20] =	vst v0;
	v0 =	vld [tilespmem:s30+$0xC0]  }
0x82: {  	v3 =	vld [tilespmem:s1+$0xC0]  }
0x83: {  	[tilespmem:s26+$0xFFFFFFB0] =	vst v2;
	v2 =	vld [tilespmem:s30+$0x30]  }
0x84: {  	v4 =	vadd.f32 v7, v4;
	v6 =	vld [tilespmem:s1+$0x30]  }
0x85: {  	v7 =	vld [tilespmem:s30+$0xFFFFFFC0];
	v1 =	vadd.f32 v5, v1  }
0x86: {  	[tilespmem:s26+$0xFFFFFF30] =	vst v4;
	v4 =	vld [tilespmem:s1+$0xFFFFFFC0]  }
0x87: {  	v5 =	vld [tilespmem:s30+$0xFFFFFF40];
	v0 =	vadd.f32 v3, v0;
	[tilespmem:s28+$0xFFFFFFF0] =	vst v1  }
0x88: {  	v1 =	vld [tilespmem:s1+$0xFFFFFF40]  }
0x89: {  	v2 =	vadd.f32 v6, v2;
	[tilespmem:s26+$0xC0] =	vst v0;
	v3 =	vld [tilespmem:s24+$0x70];
	s24 =	smov.u32 s30  }
0x8a: {  	v0 =	vld [tilespmem:s30+$0xD0]  }
0x8b: {  	v4 =	vadd.f32 v4, v7;
	[tilespmem:s26+$0x30] =	vst v2;
	v2 =	vld [tilespmem:s1+$0xD0]  }
0x8c: {  	v6 =	vld [tilespmem:s30+$0x40]  }
0x8d: {  	v1 =	vadd.f32 v1, v5;
	[tilespmem:s26+$0xFFFFFFC0] =	vst v4;
	v4 =	vld [tilespmem:s1+$0x40]  }
0x8e: {  	v5 =	vld [tilespmem:s30+$0xFFFFFFD0]  }
0x8f: {  	[tilespmem:s26+$0xFFFFFF40] =	vst v1;
	v1 =	vld [tilespmem:s1+$0xFFFFFFD0]  }
0x90: {  	v7 =	vld [tilespmem:s30+$0xFFFFFF50];
	v0 =	vadd.f32 v2, v0  }
0x91: {  	v2 =	vld [tilespmem:s1+$0xFFFFFF50]  }
0x92: {  	v4 =	vadd.f32 v4, v6;
	[tilespmem:s26+$0xD0] =	vst v0;
	v6 =	vld [tilespmem:s25+$0x70];
	s25 =	smov.u32 s1  }
0x93: {  	v8 =	vld [tilespmem:s30+$0xE0]  }
0x94: {  	v0 =	vadd.f32 v1, v5;
	[tilespmem:s26+$0x40] =	vst v4;
	v5 =	vld [tilespmem:s1+$0xE0]  }
0x95: {  	v1 =	vld [tilespmem:s30+$0x50]  }
.Ltmp0:
0x96: {  	v2 =	vadd.f32 v2, v7;
	[tilespmem:s26+$0xFFFFFFD0] =	vst v0;
	v4 =	vld [tilespmem:s1+$0x50];
	(pc) =	sbr.rel @p1 .LBB2_3-.Ltmp0, $4  }
0x97: {  	v0 =	vld [tilespmem:s30+$0xFFFFFFE0];
	v7 =	vadd.f32 v6, v3  }
0x98: {  	[tilespmem:s26+$0xFFFFFF50] =	vst v2;
	v3 =	vld [tilespmem:s1+$0xFFFFFFE0]  }
0x99: {  	v2 =	vld [tilespmem:s30+$0xFFFFFF60];
	v6 =	vadd.f32 v5, v8;
	[tilespmem:s28+$0x70] =	vst v7;
	s28 =	smov.u32 s26  }
0x9a: {  	s30 =	sadd.s32 $0x200, s30;
	v5 =	vld [tilespmem:s1+$0xFFFFFF60]  }
0x9b: {  	v1 =	vadd.f32 v4, v1;
	_ =	sdelay $0x1  }
0x9c: {  	[tilespmem:s26+$0x50] =	vst v1  }
0x9d: {  	v1 =	vld [tilespmem:s24+$0x60]  }
0x9e: {  	v55 =	vld [tilespmem:s25+$0x60]  }
0x9f: {  	[tilespmem:s26+$0xE0] =	vst v6;
	v0 =	vadd.f32 v3, v0  }
0xa0: {  	v56 =	vld [tilespmem:s24+$0xF0]  }
0xa1: {  	v57 =	vld [tilespmem:s25+$0xF0];
	v2 =	vadd.f32 v5, v2;
	[tilespmem:s26+$0xFFFFFFE0] =	vst v0  }
0xa2: {  	v60 =	vld [tilespmem:s24+$0xFFFFFFF0]  }
0xa3: {  	v61 =	vld [tilespmem:s25+$0xFFFFFFF0];
	[tilespmem:s26+$0xFFFFFF60] =	vst v2;
	v58 =	vadd.f32 v55, v1  }
0xa4: {  	v2 =	vld [tilespmem:s24+$0xFFFFFF70]  }
0xa5: {  	v59 =	vld [tilespmem:s25+$0xFFFFFF70];
	[tilespmem:s28+$0x60] =	vst v58  }
0xa6: {  	v62 =	vld [tilespmem:s24+$0x70]  }
0xa7: {  	v7 =	vld [tilespmem:s25+$0x70];
	_ =	sdelay $0x1  }
0xa8: {  	s0 =	sor.u32 s5, s23;
	v3 =	vadd.f32 v57, v56  }
0xa9: {  	p1 =	sne.s32 s23, $0x1F;
	s0 =	smul.u32 $0x6400, s0;
	v0 =	vadd.f32 v61, v60  }
.Ltmp1:
0xaa: {  	[tilespmem:s28+$0xF0] =	vst v3;
	v1 =	vadd.f32 v59, v2;
	(pc) =	sbr.rel @p1 .LBB2_6-.Ltmp1, $4  }
0xab: {  	[tilespmem:s28+$0xFFFFFFF0] =	vst v0;
	v63 =	vadd.f32 v7, v62  }
0xac: {  	s0 =	sshrl.u32 s0, $0x3;
	[tilespmem:s28+$0xFFFFFF70] =	vst v1  }
0xad: {  	s25 =	sadd.s32 s3, s0;
	s24 =	sadd.s32 $0x1, s23;
	[tilespmem:s28+$0x70] =	vst v63  }
0xae: {  	[hbm4b:s25+s4] =	stream.linear.scatter [tilespmem:s17], [sflag:$0x3], $0x3000, $0x38;
	[tilespmem:$0x15400] =	vst v63  }
.Ltmp2:
0xaf: {  	(pc) =	sbr.rel .LBB2_7-.Ltmp2, $4  }
0xb0: {  	_ = 	snop  }
0xb1: {  	_ =	swait.ge [sflag:s18], $0x3400  }
0xb2: {  	[sflag:s18] =	ssyncset.done $0x0  }
0xb3: {  	[sflag:s18] =	ssyncadd.s32 $0xFFFFCC00  }
.LBB2_6:
0xb4: {  	s0 =	sshll.u32 s24, $0x8  }
.Ltmp3:
0xb5: {  	s0 =	sand.u32 $0x3FFFFF00, s0;
	(pc) =	sbr.rel @p0 .LBB2_8-.Ltmp3, $4  }
0xb6: {  	[tilespmem:s12], [sflag:$0x1] =	stream.indirect.gather [hbm4b:s2+s11], $0x80, s0, s11, $0xb8;
	[tilespmem:$0x15400] =	vst v63  }
0xb7: {  	_ =	swait.ge [sflag:s18], $0x3400  }
0xb8: {  	[sflag:s18] =	ssyncset.done $0x0  }
0xb9: {  	[sflag:s18] =	ssyncadd.s32 $0xFFFFCC00  }
.LBB2_7:
0xba: {  	_ =	swait.ge [sflag:s19], $0x3400  }
0xbb: {  	[sflag:s19] =	ssyncset.done $0x0  }
0xbc: {  	[sflag:s19] =	ssyncadd.s32 $0xFFFFCC00  }
.LBB2_8:
0xbd: {  	s26 =	simm.s32 $0xBD00  }
0xbe: {  	s28 =	simm.s32 $0x55F0;
	v0 =	vld [tilespmem:s26+$0x80]  }
0xbf: {  	v1 =	vld [tilespmem:s28+$0xFFFFFF90];
	_ =	sdelay $0x2  }
0xc0: {  	v2 =	vld [tilespmem:s26+$0xFFFFFF80]  }
0xc1: {  	v3 =	vld [tilespmem:s28+$0xFFFFFE90]  }
0xc2: {  	v4 =	vld [tilespmem:s28+$0xFFFFFE10];
	v0 =	vadd.f32 v1, v0  }
0xc3: {  	s29 =	simm.s32 $0x12100;
	v1 =	vld [tilespmem:s26+$0xFFFFFF00]  }
0xc4: {  	[tilespmem:s29+$0x80] =	vst v0  }
0xc5: {  	v0 =	vld [tilespmem:s26+$0x90]  }
0xc6: {  	v2 =	vadd.f32 v3, v2;
	v3 =	vld [tilespmem:s28+$0xFFFFFFA0]  }
0xc7: {  	v5 =	vld [tilespmem:s26+$0x0]  }
0xc8: {  	v6 =	vld [tilespmem:s28+$0xFFFFFF10];
	[tilespmem:s29+$0xFFFFFF80] =	vst v2;
	v1 =	vadd.f32 v4, v1  }
0xc9: {  	v2 =	vld [tilespmem:s26+$0xFFFFFF90]  }
0xca: {  	v4 =	vld [tilespmem:s28+$0xFFFFFEA0];
	[tilespmem:s29+$0xFFFFFF00] =	vst v1  }
0xcb: {  	v1 =	vld [tilespmem:s26+$0xFFFFFF10];
	v0 =	vadd.f32 v3, v0  }
0xcc: {  	v3 =	vld [tilespmem:s28+$0xFFFFFE20]  }
0xcd: {  	v5 =	vadd.f32 v6, v5;
	[tilespmem:s29+$0x90] =	vst v0  }
0xce: {  	v0 =	vld [tilespmem:s26+$0xA0]  }
0xcf: {  	[tilespmem:s29+$0x0] =	vst v5;
	v2 =	vadd.f32 v4, v2;
	v4 =	vld [tilespmem:s28+$0xFFFFFFB0]  }
0xd0: {  	v5 =	vld [tilespmem:s26+$0x10]  }
0xd1: {  	v6 =	vld [tilespmem:s28+$0xFFFFFF20];
	[tilespmem:s29+$0xFFFFFF90] =	vst v2;
	v1 =	vadd.f32 v3, v1  }
0xd2: {  	v2 =	vld [tilespmem:s26+$0xFFFFFFA0]  }
0xd3: {  	v3 =	vld [tilespmem:s28+$0xFFFFFEB0];
	[tilespmem:s29+$0xFFFFFF10] =	vst v1  }
0xd4: {  	v1 =	vld [tilespmem:s26+$0xFFFFFF20];
	v0 =	vadd.f32 v4, v0  }
0xd5: {  	v4 =	vld [tilespmem:s28+$0xFFFFFE30]  }
0xd6: {  	v5 =	vadd.f32 v6, v5;
	[tilespmem:s29+$0xA0] =	vst v0  }
0xd7: {  	v0 =	vld [tilespmem:s26+$0xB0]  }
0xd8: {  	[tilespmem:s29+$0x10] =	vst v5;
	v2 =	vadd.f32 v3, v2;
	v3 =	vld [tilespmem:s28+$0xFFFFFFC0]  }
0xd9: {  	v5 =	vld [tilespmem:s26+$0x20]  }
0xda: {  	[tilespmem:s29+$0xFFFFFFA0] =	vst v2;
	v2 =	vld [tilespmem:s28+$0xFFFFFF30];
	v1 =	vadd.f32 v4, v1  }
0xdb: {  	v4 =	vld [tilespmem:s26+$0xFFFFFFB0]  }
0xdc: {  	v6 =	vld [tilespmem:s28+$0xFFFFFEC0];
	[tilespmem:s29+$0xFFFFFF20] =	vst v1  }
0xdd: {  	v1 =	vld [tilespmem:s26+$0xFFFFFF30];
	v0 =	vadd.f32 v3, v0  }
0xde: {  	v3 =	vld [tilespmem:s28+$0xFFFFFE40]  }
0xdf: {  	v2 =	vadd.f32 v2, v5;
	[tilespmem:s29+$0xB0] =	vst v0  }
0xe0: {  	v0 =	vld [tilespmem:s26+$0xC0]  }
0xe1: {  	v4 =	vadd.f32 v6, v4;
	[tilespmem:s29+$0x20] =	vst v2;
	v2 =	vld [tilespmem:s28+$0xFFFFFFD0]  }
0xe2: {  	v5 =	vld [tilespmem:s26+$0x30]  }
0xe3: {  	[tilespmem:s29+$0xFFFFFFB0] =	vst v4;
	v1 =	vadd.f32 v3, v1;
	v3 =	vld [tilespmem:s28+$0xFFFFFF40]  }
0xe4: {  	v4 =	vld [tilespmem:s26+$0xFFFFFFC0]  }
0xe5: {  	[tilespmem:s29+$0xFFFFFF30] =	vst v1;
	v1 =	vld [tilespmem:s28+$0xFFFFFED0]  }
0xe6: {  	v6 =	vld [tilespmem:s26+$0xFFFFFF40];
	v0 =	vadd.f32 v2, v0  }
0xe7: {  	v2 =	vld [tilespmem:s28+$0xFFFFFE50]  }
0xe8: {  	v3 =	vadd.f32 v3, v5;
	[tilespmem:s29+$0xC0] =	vst v0  }
0xe9: {  	v0 =	vld [tilespmem:s26+$0xD0]  }
0xea: {  	v1 =	vadd.f32 v1, v4;
	[tilespmem:s29+$0x30] =	vst v3;
	v3 =	vld [tilespmem:s28+$0xFFFFFFE0]  }
0xeb: {  	v4 =	vld [tilespmem:s26+$0x40]  }
0xec: {  	v2 =	vadd.f32 v2, v6;
	[tilespmem:s29+$0xFFFFFFC0] =	vst v1;
	v1 =	vld [tilespmem:s28+$0xFFFFFF50]  }
0xed: {  	v5 =	vld [tilespmem:s26+$0xFFFFFFD0]  }
0xee: {  	[tilespmem:s29+$0xFFFFFF40] =	vst v2;
	v2 =	vld [tilespmem:s28+$0xFFFFFEE0]  }
0xef: {  	v6 =	vld [tilespmem:s26+$0xFFFFFF50];
	v0 =	vadd.f32 v3, v0  }
0xf0: {  	v3 =	vld [tilespmem:s28+$0xFFFFFE60]  }
0xf1: {  	v1 =	vadd.f32 v1, v4;
	[tilespmem:s29+$0xD0] =	vst v0  }
0xf2: {  	v7 =	vld [tilespmem:s26+$0xE0]  }
0xf3: {  	v0 =	vadd.f32 v2, v5;
	v5 =	vld [tilespmem:s28+$0xFFFFFFF0];
	[tilespmem:s29+$0x40] =	vst v1  }
0xf4: {  	v1 =	vld [tilespmem:s26+$0x50]  }
0xf5: {  	v2 =	vadd.f32 v3, v6;
	[tilespmem:s29+$0xFFFFFFD0] =	vst v0;
	v4 =	vld [tilespmem:s28+$0xFFFFFF60]  }
0xf6: {  	v0 =	vld [tilespmem:s26+$0xFFFFFFE0]  }
0xf7: {  	v3 =	vld [tilespmem:s28+$0xFFFFFEF0];
	[tilespmem:s29+$0xFFFFFF50] =	vst v2  }
0xf8: {  	s31 =	simm.s32 $0x0;
	v2 =	vld [tilespmem:s26+$0xFFFFFF60];
	v6 =	vadd.f32 v5, v7  }
0xf9: {  	s1 =	simm.s32 $0xBF00;
	s0 =	simm.s32 $0x55F0;
	s30 =	simm.s32 $0x12100;
	v5 =	vld [tilespmem:s28+$0xFFFFFE70]  }
.LBB2_9:
0xfa: {  	v7 =	vld [tilespmem:s1+$0x80];
	v1 =	vadd.f32 v4, v1;
	[tilespmem:s29+$0xE0] =	vst v6  }
0xfb: {  	v4 =	vld [tilespmem:s26+$0xF0]  }
0xfc: {  	s0 =	sadd.s32 $0x200, s0;
	v0 =	vadd.f32 v3, v0;
	[tilespmem:s29+$0x50] =	vst v1;
	v1 =	vld [tilespmem:s28+$0x0]  }
0xfd: {  	v3 =	vld [tilespmem:s0+$0xFFFFFF90]  }
0xfe: {  	v6 =	vld [tilespmem:s0+$0xFFFFFE10];
	v2 =	vadd.f32 v5, v2;
	[tilespmem:s29+$0xFFFFFFE0] =	vst v0  }
0xff: {  	v0 =	vld [tilespmem:s1+$0xFFFFFF80]  }
0x100: {  	v5 =	vld [tilespmem:s0+$0xFFFFFE90];
	[tilespmem:s29+$0xFFFFFF60] =	vst v2  }
0x101: {  	v2 =	vld [tilespmem:s1+$0x0];
	v1 =	vadd.f32 v1, v4  }
0x102: {  	v4 =	vld [tilespmem:s0+$0xFFFFFF10];
	v3 =	vadd.f32 v3, v7  }
0x103: {  	s29 =	sadd.s32 $0x200, s29;
	v7 =	vld [tilespmem:s1+$0xFFFFFF00];
	[tilespmem:s30+$0xF0] =	vst v1  }
0x104: {  	s31 =	sadd.s32 $0x4, s31;
	[tilespmem:s29+$0x80] =	vst v3;
	v1 =	vld [tilespmem:s26+$0x60]  }
0x105: {  	p0 =	slt.u32 s31, $0x64;
	v0 =	vadd.f32 v5, v0;
	v3 =	vld [tilespmem:s1+$0x90]  }
0x106: {  	v5 =	vld [tilespmem:s0+$0xFFFFFFA0]  }
0x107: {  	[tilespmem:s29+$0xFFFFFF80] =	vst v0;
	v0 =	vadd.f32 v4, v2;
	v2 =	vld [tilespmem:s28+$0xFFFFFF70]  }
0x108: {  	v4 =	vadd.f32 v6, v7;
	v6 =	vld [tilespmem:s1+$0xFFFFFF90]  }
0x109: {  	v7 =	vld [tilespmem:s0+$0xFFFFFEA0];
	[tilespmem:s29+$0x0] =	vst v0  }
0x10a: {  	[tilespmem:s29+$0xFFFFFF00] =	vst v4;
	v0 =	vld [tilespmem:s1+$0x10]  }
0x10b: {  	v4 =	vld [tilespmem:s1+$0xFFFFFF10];
	v3 =	vadd.f32 v5, v3  }
0x10c: {  	v5 =	vld [tilespmem:s0+$0xFFFFFE20];
	v1 =	vadd.f32 v2, v1  }
0x10d: {  	v2 =	vld [tilespmem:s0+$0xFFFFFF20];
	[tilespmem:s29+$0x90] =	vst v3  }
0x10e: {  	v3 =	vadd.f32 v7, v6;
	v6 =	vld [tilespmem:s1+$0xA0];
	[tilespmem:s30+$0x60] =	vst v1  }
0x10f: {  	v1 =	vld [tilespmem:s0+$0xFFFFFFB0]  }
0x110: {  	[tilespmem:s29+$0xFFFFFF90] =	vst v3;
	v3 =	vld [tilespmem:s26+$0xFFFFFF70]  }
0x111: {  	v4 =	vadd.f32 v5, v4;
	v5 =	vld [tilespmem:s1+$0xFFFFFFA0]  }
0x112: {  	v7 =	vld [tilespmem:s0+$0xFFFFFEB0];
	v0 =	vadd.f32 v2, v0  }
0x113: {  	[tilespmem:s29+$0xFFFFFF10] =	vst v4;
	v2 =	vld [tilespmem:s28+$0xFFFFFE80]  }
0x114: {  	v4 =	vld [tilespmem:s1+$0xFFFFFF20];
	[tilespmem:s29+$0x10] =	vst v0;
	v0 =	vadd.f32 v1, v6  }
0x115: {  	v1 =	vld [tilespmem:s0+$0xFFFFFE30]  }
0x116: {  	v6 =	vld [tilespmem:s1+$0x20];
	[tilespmem:s29+$0xA0] =	vst v0  }
0x117: {  	v0 =	vadd.f32 v7, v5;
	v5 =	vld [tilespmem:s1+$0xB0]  }
0x118: {  	v7 =	vld [tilespmem:s0+$0xFFFFFFC0];
	v2 =	vadd.f32 v2, v3  }
0x119: {  	[tilespmem:s29+$0xFFFFFFA0] =	vst v0;
	v0 =	vld [tilespmem:s0+$0xFFFFFF30]  }
0x11a: {  	v1 =	vadd.f32 v1, v4;
	v3 =	vld [tilespmem:s1+$0xFFFFFFB0];
	[tilespmem:s30+$0xFFFFFF70] =	vst v2  }
0x11b: {  	v2 =	vld [tilespmem:s0+$0xFFFFFEC0]  }
0x11c: {  	[tilespmem:s29+$0xFFFFFF20] =	vst v1;
	v1 =	vld [tilespmem:s26+$0xFFFFFFF0]  }
0x11d: {  	v4 =	vld [tilespmem:s1+$0xFFFFFF30];
	v5 =	vadd.f32 v7, v5  }
0x11e: {  	v7 =	vld [tilespmem:s0+$0xFFFFFE40];
	v0 =	vadd.f32 v0, v6  }
0x11f: {  	[tilespmem:s29+$0xB0] =	vst v5;
	v5 =	vld [tilespmem:s28+$0xFFFFFF00]  }
0x120: {  	v2 =	vadd.f32 v2, v3;
	[tilespmem:s29+$0x20] =	vst v0;
	v0 =	vld [tilespmem:s1+$0xC0]  }
0x121: {  	v3 =	vld [tilespmem:s0+$0xFFFFFFD0]  }
0x122: {  	[tilespmem:s29+$0xFFFFFFB0] =	vst v2;
	v2 =	vld [tilespmem:s1+$0x30]  }
0x123: {  	v4 =	vadd.f32 v7, v4;
	v6 =	vld [tilespmem:s0+$0xFFFFFF40]  }
0x124: {  	v7 =	vld [tilespmem:s1+$0xFFFFFFC0];
	v1 =	vadd.f32 v5, v1  }
0x125: {  	[tilespmem:s29+$0xFFFFFF30] =	vst v4;
	v4 =	vld [tilespmem:s0+$0xFFFFFED0]  }
0x126: {  	v5 =	vld [tilespmem:s1+$0xFFFFFF40];
	v0 =	vadd.f32 v3, v0;
	[tilespmem:s30+$0xFFFFFFF0] =	vst v1  }
0x127: {  	v1 =	vld [tilespmem:s0+$0xFFFFFE50]  }
0x128: {  	v2 =	vadd.f32 v6, v2;
	[tilespmem:s29+$0xC0] =	vst v0;
	v3 =	vld [tilespmem:s26+$0x70];
	s26 =	smov.u32 s1  }
0x129: {  	v0 =	vld [tilespmem:s1+$0xD0]  }
0x12a: {  	v4 =	vadd.f32 v4, v7;
	[tilespmem:s29+$0x30] =	vst v2;
	v2 =	vld [tilespmem:s0+$0xFFFFFFE0]  }
0x12b: {  	v6 =	vld [tilespmem:s1+$0x40]  }
0x12c: {  	v1 =	vadd.f32 v1, v5;
	[tilespmem:s29+$0xFFFFFFC0] =	vst v4;
	v4 =	vld [tilespmem:s0+$0xFFFFFF50]  }
0x12d: {  	v5 =	vld [tilespmem:s1+$0xFFFFFFD0]  }
0x12e: {  	[tilespmem:s29+$0xFFFFFF40] =	vst v1;
	v1 =	vld [tilespmem:s0+$0xFFFFFEE0]  }
0x12f: {  	v7 =	vld [tilespmem:s1+$0xFFFFFF50];
	v0 =	vadd.f32 v2, v0  }
0x130: {  	v2 =	vld [tilespmem:s0+$0xFFFFFE60]  }
0x131: {  	v4 =	vadd.f32 v4, v6;
	[tilespmem:s29+$0xD0] =	vst v0;
	v6 =	vld [tilespmem:s28+$0xFFFFFF80];
	s28 =	smov.u32 s0  }
0x132: {  	v8 =	vld [tilespmem:s1+$0xE0]  }
0x133: {  	v0 =	vadd.f32 v1, v5;
	[tilespmem:s29+$0x40] =	vst v4;
	v5 =	vld [tilespmem:s0+$0xFFFFFFF0]  }
0x134: {  	v1 =	vld [tilespmem:s1+$0x50]  }
.Ltmp4:
0x135: {  	v2 =	vadd.f32 v2, v7;
	[tilespmem:s29+$0xFFFFFFD0] =	vst v0;
	v4 =	vld [tilespmem:s0+$0xFFFFFF60];
	(pc) =	sbr.rel @p0 .LBB2_9-.Ltmp4, $4  }
0x136: {  	v0 =	vld [tilespmem:s1+$0xFFFFFFE0];
	v7 =	vadd.f32 v6, v3  }
0x137: {  	[tilespmem:s29+$0xFFFFFF50] =	vst v2;
	v3 =	vld [tilespmem:s0+$0xFFFFFEF0]  }
0x138: {  	v2 =	vld [tilespmem:s1+$0xFFFFFF60];
	v6 =	vadd.f32 v5, v8;
	[tilespmem:s30+$0x70] =	vst v7;
	s30 =	smov.u32 s29  }
0x139: {  	s1 =	sadd.s32 $0x200, s1;
	v5 =	vld [tilespmem:s0+$0xFFFFFE70]  }
0x13a: {  	v1 =	vadd.f32 v4, v1;
	_ =	sdelay $0x1  }
0x13b: {  	[tilespmem:s29+$0x50] =	vst v1  }
0x13c: {  	v1 =	vld [tilespmem:s26+$0x60]  }
0x13d: {  	v55 =	vld [tilespmem:s28+$0xFFFFFF70]  }
0x13e: {  	[tilespmem:s29+$0xE0] =	vst v6;
	v0 =	vadd.f32 v3, v0  }
0x13f: {  	v56 =	vld [tilespmem:s26+$0xF0]  }
0x140: {  	v57 =	vld [tilespmem:s28+$0x0];
	v2 =	vadd.f32 v5, v2;
	[tilespmem:s29+$0xFFFFFFE0] =	vst v0  }
0x141: {  	v60 =	vld [tilespmem:s26+$0xFFFFFFF0]  }
0x142: {  	v61 =	vld [tilespmem:s28+$0xFFFFFF00];
	[tilespmem:s29+$0xFFFFFF60] =	vst v2;
	v58 =	vadd.f32 v55, v1  }
0x143: {  	v2 =	vld [tilespmem:s26+$0xFFFFFF70]  }
0x144: {  	v59 =	vld [tilespmem:s28+$0xFFFFFE80];
	[tilespmem:s30+$0x60] =	vst v58  }
0x145: {  	v62 =	vld [tilespmem:s26+$0x70]  }
0x146: {  	v7 =	vld [tilespmem:s28+$0xFFFFFF80];
	_ =	sdelay $0x1  }
0x147: {  	v3 =	vadd.f32 v57, v56  }
0x148: {  	v0 =	vadd.f32 v61, v60  }
0x149: {  	[tilespmem:s30+$0xF0] =	vst v3;
	v1 =	vadd.f32 v59, v2  }
0x14a: {  	[tilespmem:s30+$0xFFFFFFF0] =	vst v0;
	v63 =	vadd.f32 v7, v62  }
0x14b: {  	[tilespmem:s30+$0xFFFFFF70] =	vst v1  }
0x14c: {  	p0 =	seq.s32 s23, $0x1F;
	s0 =	sadd.s32 $0x600, s25;
	[tilespmem:s30+$0x70] =	vst v63  }
0x14d: {  	[hbm4b:s0+s4] =	stream.linear.scatter [tilespmem:s20], [sflag:$0x4], $0x3400, $0x38;
	[tilespmem:$0x15400] =	vst v63  }
0x14e: {  	s0 =	sshll.u32 @!p0 s24, $0x8  }
0x14f: {  	s1 =	simm.s32 @!p0 $0x68;
	s0 =	sand.u32 @!p0 $0x3FFFFF00, s0  }
0x150: {  	s23 =	simm.s32 @!p0 $0xBC00;
	p1 =	sne.s32 @!p0 s24, $0x20;
	s0 =	sor.u32 @!p0 $0x80, s0  }
0x151: {  	[tilespmem:s23], [sflag:$0x2] =	stream.indirect.gather @!p0 [hbm4b:s2+s1], $0x80, s0, s1, $0xb8;
	[tilespmem:$0x15400] =	vst v63  }
0x152: {  	p0 =	por p0, !p1  }
.Ltmp5:
0x153: {  	_ = 	snop;
	(pc) =	sbr.rel @!p0 .LBB2_2-.Ltmp5, $2  }
0x154: {  	_ =	sdelay $0x2  }
0x155: {  	s23 =	smov.u32 s24  }
0x156: {  	s22 =	sadd.s32 $0x1, s22  }
0x157: {  	_ =	swait.ge [sflag:s21], $0x3000;
	p0 =	sne.s32 s22, s8  }
.Ltmp6:
0x158: {  	[sflag:s21] =	ssyncset.done $0x0;
	(pc) =	sbr.rel @p0 .LBB2_1-.Ltmp6, $4  }
0x159: {  	[sflag:s21] =	ssyncadd.s32 $0xFFFFD000  }
0x15a: {  	_ =	swait.ge [sflag:s19], $0x3400  }
0x15b: {  	[sflag:s19] =	ssyncset.done $0x0  }
0x15c: {  	[sflag:s19] =	ssyncadd.s32 $0xFFFFCC00  }
0x15d: {  	_ =	sfence.sel $0x180000  }
0x15e: {  	[bflag:$0x0] =	sbarrier.arrive $0xFFFF  }
0x15f: {  	_ =	strace $0x90000047  }
0x160: {  	s0 =	stileid.u32;
	[bflag:$0x2] =	sbarrier.arrive $0xFFFF  }
0x161: {  	p0 =	sne.s32 s0, $0x0;
	s0 =	rddreg [dreg:$0x3]  }
0x162: {  	s0 =	sadd.s32 @!p0 $0x100000, s0  }
0x163: {  	[sflag:s0] =	ssyncadd.tile.s32 @!p0 $0x1;
	_ =	shalt  }
.Lfunc_end2:
_tile_overlayer_lowered:
.L_overlay_start_2:
0x164: {  	(tag) =	ssettag $0x2  }
0x165: {  	s0 =	rddreg [dreg:$0x0];
	s2 =	stileid.u32  }
0x166: {  	s1 =	rddreg [dreg:$0x1];
	p0 =	sne.s32 s2, $0x0  }
0x167: {  	s3 =	rddreg [dreg:$0x2];
	[bflag:$0x3] =	sbarrier.arrive $0xFFFF;
	s2 =	simm.s32 @!p0 $0x1C06  }
0x168: {  	[timem:s3], [sflag:s2] =	dma.local @!p0 [hbm:s0], s1  }
0x169: {  	s0 =	simm.s32 @!p0 $0x6  }
0x16a: {  	_ =	swait.ge @!p0 [sflag:s0], s1  }
0x16b: {  	s1 =	ssub.s32 @!p0 $0x0, s1;
	[sflag:s0] =	ssyncset.done @!p0 $0x0  }
0x16c: {  	[sflag:s0] =	ssyncadd.s32 @!p0 s1  }
0x16d: {  	[bflag:$0x3] =	sbarrier.arrive $0xFFFF  }
0x16e: {  	_ =	shalt  }

</sc_bundles>
